<compile_context>
chip_gen: v7x
topology: tpu7x:2x2x1
jax: 0.10.2.dev20260603
libtpu: 0.0.44.dev20260713+nightly
codegen_flags: <defaults>
</compile_context>

<pallas_src>
import jax
import jax.numpy as jnp
from jax import lax
from jax.experimental import pallas as pl
from jax.experimental.pallas import tpu as pltpu
from jax.experimental.pallas import tpu_sc as plsc

N_NODES = 10000
D = 128

NC = 2
NS = 16
NW = NC * NS

CHUNK = 128
K0 = 80
K1 = 80
E_PAD = NS * (K0 + K1) * CHUNK
N_ACC = 10240
ROWS_PER_TILE = N_ACC // NS


def _sc_body(feat_hbm, src_hbm, dst_hbm, out_hbm, deg_hbm,
             rows0, rows1, sidx0, sidx1, didx0, didx1, deghist, acc,
             gsem0, gsem1, ssem0, ssem1, sisem0, sisem1, disem0, disem1):
    c = lax.axis_index("c")
    s = lax.axis_index("s")
    wid = s * NC + c

    rows = (rows0, rows1)
    sidx = (sidx0, sidx1)
    didx = (didx0, didx1)
    gsem = (gsem0, gsem1)
    ssem = (ssem0, ssem1)
    sisem = (sisem0, sisem1)
    disem = (disem0, disem1)

    zero16 = jnp.zeros((16,), jnp.float32)

    def zrow(i, _):
        def zcol(j, _):
            rows0[i, pl.ds(j * 16, 16)] = zero16
            return ()
        return lax.fori_loop(0, D // 16, zcol, ())

    lax.fori_loop(0, CHUNK, zrow, ())

    def zdeg(i, _):
        deghist[pl.ds(i * 16, 16)] = zero16
        return ()

    lax.fori_loop(0, N_ACC // 16, zdeg, ())

    row0 = s * ROWS_PER_TILE
    for k in range(ROWS_PER_TILE // CHUNK):
        pltpu.sync_copy(rows0, acc.at[pl.ds(row0 + k * CHUNK, CHUNK)])

    plsc.subcore_barrier()

    nk = jnp.where(c == 0, K0, K1)
    cbase = jnp.where(c == 0, s * K0, NS * K0 + s * K1)
    ebase = cbase * CHUNK

    def sidx_load(b, g):
        pltpu.async_copy(src_hbm.at[pl.ds(ebase + g * CHUNK, CHUNK)],
                         sidx[b], sisem[b])

    def sidx_wait(b):
        pltpu.make_async_copy(src_hbm.at[pl.ds(0, CHUNK)], sidx[b],
                              sisem[b]).wait()

    def didx_load(b, g):
        pltpu.async_copy(dst_hbm.at[pl.ds(ebase + g * CHUNK, CHUNK)],
                         didx[b], disem[b])

    def didx_wait(b):
        pltpu.make_async_copy(dst_hbm.at[pl.ds(0, CHUNK)], didx[b],
                              disem[b]).wait()

    def gather_start(b):
        pltpu.async_copy(feat_hbm.at[sidx[b]], rows[b], gsem[b])

    def gather_wait(b):
        pltpu.make_async_copy(feat_hbm.at[sidx[b]], rows[b], gsem[b]).wait()

    def scatter_start(b):
        pltpu.async_copy(rows[b], acc.at[didx[b]], ssem[b], add=True)

    def scatter_wait(b):
        pltpu.make_async_copy(rows[b], acc.at[didx[b]], ssem[b]).wait()

    ones16 = jnp.ones((16,), jnp.float32)

    def hist_update(b):
        def hstep(j, _):
            idx16 = didx[b][pl.ds(j * 16, 16)]
            plsc.addupdate_scatter(deghist, (idx16,), ones16)
            return ()
        lax.fori_loop(0, CHUNK // 16, hstep, ())

    def body(b, g, first=False, no_next=False, no_sidx=False):
        ob = 1 - b
        gather_wait(b)
        if not first:
            scatter_wait(ob)
        if not no_next:
            sidx_wait(ob)
            gather_start(ob)
            if not no_sidx:
                sidx_load(b, g + 2)
            didx_load(ob, g + 1)
        didx_wait(b)
        scatter_start(b)
        hist_update(b)

    sidx_load(0, 0)
    didx_load(0, 0)
    sidx_load(1, 1)
    sidx_wait(0)
    gather_start(0)

    body(0, 0, first=True)
    body(1, 1)

    def pair(p, _):
        g = 2 * p
        body(0, g)
        body(1, g + 1)
        return ()

    lax.fori_loop(1, (nk - 2) // 2, pair, ())

    body(0, nk - 2, no_sidx=True)
    body(1, nk - 1, no_next=True)
    scatter_wait(1)

    plsc.subcore_barrier()

    pltpu.sync_copy(acc.at[pl.ds(row0, ROWS_PER_TILE)],
                    out_hbm.at[c, pl.ds(row0, ROWS_PER_TILE)])
    pltpu.sync_copy(deghist, deg_hbm.at[wid])


@jax.jit
def _sc_partials(feature, src_p, dst_p):
    mesh = plsc.VectorSubcoreMesh(core_axis_name="c", subcore_axis_name="s")
    return pl.kernel(
        _sc_body,
        out_type=[
            jax.ShapeDtypeStruct((NC, N_ACC, D), jnp.float32),
            jax.ShapeDtypeStruct((NW, N_ACC), jnp.float32),
        ],
        mesh=mesh,
        scratch_types=[
            pltpu.VMEM((CHUNK, D), jnp.float32),
            pltpu.VMEM((CHUNK, D), jnp.float32),
            pltpu.VMEM((CHUNK,), jnp.int32),
            pltpu.VMEM((CHUNK,), jnp.int32),
            pltpu.VMEM((CHUNK,), jnp.int32),
            pltpu.VMEM((CHUNK,), jnp.int32),
            pltpu.VMEM((N_ACC,), jnp.float32),
            pltpu.VMEM_SHARED((N_ACC, D), jnp.float32),
        ] + [pltpu.SemaphoreType.DMA] * 8,
        compiler_params=pltpu.CompilerParams(needs_layout_passes=False),
    )(feature, src_p, dst_p)


RB = 512


def _tc_body(p_ref, dp_ref, wgc_ref, bgc_ref, wlt_ref, bl_ref, o_ref):
    x = p_ref[...]
    st = x[0] + x[1]
    deg = jnp.sum(dp_ref[...], axis=0)
    h = st / jnp.clip(deg, 1.0, None)[:, None]
    ge = jnp.dot(h, wgc_ref[...], preferred_element_type=jnp.float32)
    ge = jnp.maximum(ge + bgc_ref[...], 0.0)
    top = jnp.max(ge, axis=1, keepdims=True)
    cnt = jnp.sum((ge == top).astype(jnp.float32), axis=1, keepdims=True)
    h2 = h * cnt
    o_ref[...] = (jnp.dot(h2, wlt_ref[...], preferred_element_type=jnp.float32)
                  + bl_ref[...])


@jax.jit
def _tc_finish(parts, degp, W_gc, b_gc, W_lin_t, b_lin2d):
    grid = N_ACC // RB
    return pl.pallas_call(
        _tc_body,
        grid=(grid,),
        in_specs=[
            pl.BlockSpec((NC, RB, D), lambda i: (0, i, 0)),
            pl.BlockSpec((NW, RB), lambda i: (0, i)),
            pl.BlockSpec((D, 3), lambda i: (0, 0)),
            pl.BlockSpec((1, 3), lambda i: (0, 0)),
            pl.BlockSpec((D, D), lambda i: (0, 0)),
            pl.BlockSpec((1, D), lambda i: (0, 0)),
        ],
        out_specs=pl.BlockSpec((RB, D), lambda i: (i, 0)),
        out_shape=jax.ShapeDtypeStruct((N_ACC, D), jnp.float32),
    )(parts, degp, W_gc, b_gc, W_lin_t, b_lin2d)


def kernel(feature, edge_index, W_gc, b_gc, W_lin, b_lin):
    src = edge_index[0].astype(jnp.int32)
    dst = edge_index[1].astype(jnp.int32)
    e = src.shape[0]
    pad = E_PAD - e
    pad_src = jnp.arange(pad, dtype=jnp.int32) % N_NODES
    pad_dst = N_NODES + (jnp.arange(pad, dtype=jnp.int32) % (N_ACC - N_NODES))
    src_p = jnp.concatenate([src, pad_src])
    dst_p = jnp.concatenate([dst, pad_dst])
    parts, degp = _sc_partials(feature, src_p, dst_p)
    out = _tc_finish(parts, degp, W_gc, b_gc, W_lin.T, b_lin.reshape(1, D))
    return out[:N_NODES]

# --- scband reference (transcript-rebuilt; emitter-appended) ---
"""Pipeline reference for scband-gcn-13718125543735 (READ-ONLY COPY).

The authoritative reference and input builder live on the scoring server;
editing this copy changes nothing except your own understanding.
"""

import jax, jax.numpy as jnp
import numpy as np

N_NODES = 10000
N_EDGES = 320000
D_FEAT = 128
D_OUT = 128
GROUPS = 3

def setup_inputs(seed: int = 0) -> dict:
    key = jax.random.key(seed)
    k1, k2, k3, k4, k5, k6 = jax.random.split(key, 6)
    feature = jax.random.normal(k1, (N_NODES, D_FEAT), dtype=jnp.float32)
    edge_index = jax.random.randint(k2, (2, N_EDGES), 0, N_NODES, dtype=jnp.int64)
    # learned params
    W_gc = jax.random.normal(k3, (D_FEAT, GROUPS), dtype=jnp.float32)
    b_gc = jax.random.normal(k4, (1, GROUPS), dtype=jnp.float32)
    lim = 1.0 / np.sqrt(D_FEAT)
    W_lin = jax.random.uniform(k5, (D_OUT, D_FEAT), dtype=jnp.float32, minval=-lim, maxval=lim)
    b_lin = jax.random.uniform(k6, (D_OUT,), dtype=jnp.float32, minval=-lim, maxval=lim)
    return {"feature": feature, "edge_index": edge_index, "W_gc": W_gc, "b_gc": b_gc, "W_lin": W_lin, "b_lin": b_lin}

def reference(feature, edge_index, W_gc, b_gc, W_lin, b_lin):
    src = edge_index[0]
    dst = edge_index[1]
    n = feature.shape[0]
    # gcn_msg = copy_u('h'); gcn_reduce = mean -> mean of source features per dst node
    msgs = jnp.take(feature, src, axis=0)                      # gather  [E, d]
    summed = jax.ops.segment_sum(msgs, dst, num_segments=n)    # scatter-add [N, d]
    deg = jax.ops.segment_sum(jnp.ones((msgs.shape[0],), dtype=feature.dtype), dst, num_segments=n)
    h = summed / jnp.clip(deg, 1.0, None)[:, None]             # mean; zero-in-degree nodes stay 0 (DGL semantics)
    # group embeddings + hard top-1 group mask
    group_embeddings = jax.nn.relu(jnp.matmul(h, W_gc) + b_gc)  # [N, groups]
    top_group = jax.lax.top_k(group_embeddings, 1)[0]           # [N, 1]
    group_mask = (group_embeddings == top_group).astype(h.dtype)  # [N, groups]
    group_mask = group_mask[:, :, None]                         # [N, groups, 1]
    hm = h[:, None, :] * group_mask                             # [N, groups, d]
    h2 = hm.sum(axis=1)                                         # [N, d]
    out = jnp.matmul(h2, W_lin.T) + b_lin                       # nn.Linear
    return out

if __name__ == "__main__":
    import jax
    _d = setup_inputs()
    print(jax.jit(kernel)(*tuple(_d.values())))

</pallas_src>

<mosaic_0001>
#map = affine_map<(d0, d1) -> (0, 0)>
#map1 = affine_map<(d0, d1) -> (0)>
#map2 = affine_map<(d0, d1) -> (0, 0, 0)>
module attributes {stable_mosaic.version = 14 : i64} {
  func.func @_sc_body(%arg0: i32, %arg1: i32, %arg2: memref<10000x128xf32, #tpu.memory_space<hbm>>, %arg3: memref<327680xi32, #tpu.memory_space<hbm>>, %arg4: memref<327680xi32, #tpu.memory_space<hbm>>, %arg5: memref<2x10240x128xf32, #tpu.memory_space<hbm>>, %arg6: memref<32x10240xf32, #tpu.memory_space<hbm>>, %arg7: memref<128x128xf32, #tpu.memory_space<vmem>>, %arg8: memref<128x128xf32, #tpu.memory_space<vmem>>, %arg9: memref<128xi32, #tpu.memory_space<vmem>>, %arg10: memref<128xi32, #tpu.memory_space<vmem>>, %arg11: memref<128xi32, #tpu.memory_space<vmem>>, %arg12: memref<128xi32, #tpu.memory_space<vmem>>, %arg13: memref<10240xf32, #tpu.memory_space<vmem>>, %arg14: memref<10240x128xf32, #tpu.memory_space<vmem_shared>>, %arg15: memref<!tpu.dma_semaphore, #tpu.memory_space<semaphore_mem>>, %arg16: memref<!tpu.dma_semaphore, #tpu.memory_space<semaphore_mem>>, %arg17: memref<!tpu.dma_semaphore, #tpu.memory_space<semaphore_mem>>, %arg18: memref<!tpu.dma_semaphore, #tpu.memory_space<semaphore_mem>>, %arg19: memref<!tpu.dma_semaphore, #tpu.memory_space<semaphore_mem>>, %arg20: memref<!tpu.dma_semaphore, #tpu.memory_space<semaphore_mem>>, %arg21: memref<!tpu.dma_semaphore, #tpu.memory_space<semaphore_mem>>, %arg22: memref<!tpu.dma_semaphore, #tpu.memory_space<semaphore_mem>>) attributes {dimension_semantics = [#tpu.dimension_semantics<core_parallel>, #tpu.dimension_semantics<subcore_parallel>], iteration_bounds = array<i64: 2, 16>, scalar_prefetch = 0 : i64, scratch_operands = 16 : i64, tpu.core_type = #tpu.core_type<sc_vector_subcore>, window_params = [{transform_indices = #map}, {transform_indices = #map1}, {transform_indices = #map1}, {transform_indices = #map2}, {transform_indices = #map}]} {
    %mul3A = arith.constant 2 : i32
    %mul3A_0 = arith.muli %arg1, %mul3A : i32
    %add3A = arith.addi %mul3A_0, %arg0 : i32
    %broadcast_in_dim3A = arith.constant 0.000000e+00 : f32
    %broadcast_in_dim3A_1 = vector.broadcast %broadcast_in_dim3A : f32 to vector<16xf32>
    %scan3A = arith.constant 0 : i32
    %scan3A_2 = arith.constant 128 : i32
    %scan3A_3 = arith.addi %scan3A, %scan3A_2 : i32
    %scan3A_4 = arith.constant 1 : i32
    scf.for %scan3A_204 = %scan3A to %scan3A_3 step %scan3A_4  : i32 {
      %scan3A_205 = arith.constant 0 : i32
      %scan3A_206 = arith.constant 8 : i32
      %scan3A_207 = arith.addi %scan3A_205, %scan3A_206 : i32
      %scan3A_208 = arith.constant 1 : i32
      scf.for %scan3A_210 = %scan3A_205 to %scan3A_207 step %scan3A_208  : i32 {
        %mul3A_211 = arith.constant 16 : i32
        %mul3A_212 = arith.muli %scan3A_210, %mul3A_211 : i32
        %swap3A = arith.index_cast %scan3A_204 : i32 to index
        %swap3A_213 = arith.index_cast %mul3A_212 : i32 to index
        %swap3A_214 = tpu.vector_load %arg7[%swap3A, %swap3A_213] {strides = array<i32>} : memref<128x128xf32, #tpu.memory_space<vmem>>, vector<16xf32>,
        tpu.vector_store %arg7[%swap3A, %swap3A_213], %broadcast_in_dim3A_1 {strides = array<i32>} : memref<128x128xf32, #tpu.memory_space<vmem>>, vector<16xf32>,
      }
      %scan3A_209 = arith.constant 8 : i32
    }
    %scan3A_5 = arith.constant 128 : i32
    %scan3A_6 = arith.constant 0 : i32
    %scan3A_7 = arith.constant 640 : i32
    %scan3A_8 = arith.addi %scan3A_6, %scan3A_7 : i32
    %scan3A_9 = arith.constant 1 : i32
    scf.for %scan3A_204 = %scan3A_6 to %scan3A_8 step %scan3A_9  : i32 {
      %mul3A_205 = arith.constant 16 : i32
      %mul3A_206 = arith.muli %scan3A_204, %mul3A_205 : i32
      %swap3A = arith.index_cast %mul3A_206 : i32 to index
      %swap3A_207 = tpu.vector_load %arg13[%swap3A] {strides = array<i32>} : memref<10240xf32, #tpu.memory_space<vmem>>, vector<16xf32>,
      tpu.vector_store %arg13[%swap3A], %broadcast_in_dim3A_1 {strides = array<i32>} : memref<10240xf32, #tpu.memory_space<vmem>>, vector<16xf32>,
    }
    %scan3A_10 = arith.constant 640 : i32
    %mul3A_11 = arith.constant 640 : i32
    %mul3A_12 = arith.muli %arg1, %mul3A_11 : i32
    %add3A_13 = arith.constant 0 : i32
    %add3A_14 = arith.addi %mul3A_12, %add3A_13 : i32
    "tpu.region"() ({
      %run_scoped3A = tpu.sem_alloc : memref<!tpu.dma_semaphore, #tpu.memory_space<semaphore_mem>>
      %dma_start3A_204 = arith.constant 0 : i32
      %dma_start3A_205 = tpu.memref_slice %arg14[%add3A_14, %dma_start3A_204] : memref<10240x128xf32, #tpu.memory_space<vmem_shared>> -> memref<128x128xf32, #tpu.memory_space<vmem_shared>>
      %dma_start3A_206 = arith.constant 0 : i32
      %dma_start3A_207 = tpu.memref_slice %arg14[%add3A_14, %dma_start3A_206] : memref<10240x128xf32, #tpu.memory_space<vmem_shared>> -> memref<128x128xf32, #tpu.memory_space<vmem_shared>>
      tpu.enqueue_dma source(%arg7 : memref<128x128xf32, #tpu.memory_space<vmem>>) target(%dma_start3A_207 : memref<128x128xf32, #tpu.memory_space<vmem_shared>>) target_semaphore(%run_scoped3A : memref<!tpu.dma_semaphore, #tpu.memory_space<semaphore_mem>>)
      %dma_wait3A_208 = arith.constant 0 : i32
      %dma_wait3A_209 = tpu.memref_slice %arg14[%add3A_14, %dma_wait3A_208] : memref<10240x128xf32, #tpu.memory_space<vmem_shared>> -> memref<128x128xf32, #tpu.memory_space<vmem_shared>>
      %dma_wait3A_210 = arith.constant 0 : i32
      %dma_wait3A_211 = tpu.memref_slice %arg14[%add3A_14, %dma_wait3A_210] : memref<10240x128xf32, #tpu.memory_space<vmem_shared>> -> memref<128x128xf32, #tpu.memory_space<vmem_shared>>
      tpu.wait_dma2 semaphore(%run_scoped3A : memref<!tpu.dma_semaphore, #tpu.memory_space<semaphore_mem>>) src(%arg7 : memref<128x128xf32, #tpu.memory_space<vmem>>) dst(%dma_wait3A_211 : memref<128x128xf32, #tpu.memory_space<vmem_shared>>)
      tpu.yield
    }) : () -> ()
    %add3A_15 = arith.constant 128 : i32
    %add3A_16 = arith.addi %mul3A_12, %add3A_15 : i32
    "tpu.region"() ({
      %run_scoped3A = tpu.sem_alloc : memref<!tpu.dma_semaphore, #tpu.memory_space<semaphore_mem>>
      %dma_start3A_204 = arith.constant 0 : i32
      %dma_start3A_205 = tpu.memref_slice %arg14[%add3A_16, %dma_start3A_204] : memref<10240x128xf32, #tpu.memory_space<vmem_shared>> -> memref<128x128xf32, #tpu.memory_space<vmem_shared>>
      %dma_start3A_206 = arith.constant 0 : i32
      %dma_start3A_207 = tpu.memref_slice %arg14[%add3A_16, %dma_start3A_206] : memref<10240x128xf32, #tpu.memory_space<vmem_shared>> -> memref<128x128xf32, #tpu.memory_space<vmem_shared>>
      tpu.enqueue_dma source(%arg7 : memref<128x128xf32, #tpu.memory_space<vmem>>) target(%dma_start3A_207 : memref<128x128xf32, #tpu.memory_space<vmem_shared>>) target_semaphore(%run_scoped3A : memref<!tpu.dma_semaphore, #tpu.memory_space<semaphore_mem>>)
      %dma_wait3A_208 = arith.constant 0 : i32
      %dma_wait3A_209 = tpu.memref_slice %arg14[%add3A_16, %dma_wait3A_208] : memref<10240x128xf32, #tpu.memory_space<vmem_shared>> -> memref<128x128xf32, #tpu.memory_space<vmem_shared>>
      %dma_wait3A_210 = arith.constant 0 : i32
      %dma_wait3A_211 = tpu.memref_slice %arg14[%add3A_16, %dma_wait3A_210] : memref<10240x128xf32, #tpu.memory_space<vmem_shared>> -> memref<128x128xf32, #tpu.memory_space<vmem_shared>>
      tpu.wait_dma2 semaphore(%run_scoped3A : memref<!tpu.dma_semaphore, #tpu.memory_space<semaphore_mem>>) src(%arg7 : memref<128x128xf32, #tpu.memory_space<vmem>>) dst(%dma_wait3A_211 : memref<128x128xf32, #tpu.memory_space<vmem_shared>>)
      tpu.yield
    }) : () -> ()
    %add3A_17 = arith.constant 256 : i32
    %add3A_18 = arith.addi %mul3A_12, %add3A_17 : i32
    "tpu.region"() ({
      %run_scoped3A = tpu.sem_alloc : memref<!tpu.dma_semaphore, #tpu.memory_space<semaphore_mem>>
      %dma_start3A_204 = arith.constant 0 : i32
      %dma_start3A_205 = tpu.memref_slice %arg14[%add3A_18, %dma_start3A_204] : memref<10240x128xf32, #tpu.memory_space<vmem_shared>> -> memref<128x128xf32, #tpu.memory_space<vmem_shared>>
      %dma_start3A_206 = arith.constant 0 : i32
      %dma_start3A_207 = tpu.memref_slice %arg14[%add3A_18, %dma_start3A_206] : memref<10240x128xf32, #tpu.memory_space<vmem_shared>> -> memref<128x128xf32, #tpu.memory_space<vmem_shared>>
      tpu.enqueue_dma source(%arg7 : memref<128x128xf32, #tpu.memory_space<vmem>>) target(%dma_start3A_207 : memref<128x128xf32, #tpu.memory_space<vmem_shared>>) target_semaphore(%run_scoped3A : memref<!tpu.dma_semaphore, #tpu.memory_space<semaphore_mem>>)
      %dma_wait3A_208 = arith.constant 0 : i32
      %dma_wait3A_209 = tpu.memref_slice %arg14[%add3A_18, %dma_wait3A_208] : memref<10240x128xf32, #tpu.memory_space<vmem_shared>> -> memref<128x128xf32, #tpu.memory_space<vmem_shared>>
      %dma_wait3A_210 = arith.constant 0 : i32
      %dma_wait3A_211 = tpu.memref_slice %arg14[%add3A_18, %dma_wait3A_210] : memref<10240x128xf32, #tpu.memory_space<vmem_shared>> -> memref<128x128xf32, #tpu.memory_space<vmem_shared>>
      tpu.wait_dma2 semaphore(%run_scoped3A : memref<!tpu.dma_semaphore, #tpu.memory_space<semaphore_mem>>) src(%arg7 : memref<128x128xf32, #tpu.memory_space<vmem>>) dst(%dma_wait3A_211 : memref<128x128xf32, #tpu.memory_space<vmem_shared>>)
      tpu.yield
    }) : () -> ()
    %add3A_19 = arith.constant 384 : i32
    %add3A_20 = arith.addi %mul3A_12, %add3A_19 : i32
    "tpu.region"() ({
      %run_scoped3A = tpu.sem_alloc : memref<!tpu.dma_semaphore, #tpu.memory_space<semaphore_mem>>
      %dma_start3A_204 = arith.constant 0 : i32
      %dma_start3A_205 = tpu.memref_slice %arg14[%add3A_20, %dma_start3A_204] : memref<10240x128xf32, #tpu.memory_space<vmem_shared>> -> memref<128x128xf32, #tpu.memory_space<vmem_shared>>
      %dma_start3A_206 = arith.constant 0 : i32
      %dma_start3A_207 = tpu.memref_slice %arg14[%add3A_20, %dma_start3A_206] : memref<10240x128xf32, #tpu.memory_space<vmem_shared>> -> memref<128x128xf32, #tpu.memory_space<vmem_shared>>
      tpu.enqueue_dma source(%arg7 : memref<128x128xf32, #tpu.memory_space<vmem>>) target(%dma_start3A_207 : memref<128x128xf32, #tpu.memory_space<vmem_shared>>) target_semaphore(%run_scoped3A : memref<!tpu.dma_semaphore, #tpu.memory_space<semaphore_mem>>)
      %dma_wait3A_208 = arith.constant 0 : i32
      %dma_wait3A_209 = tpu.memref_slice %arg14[%add3A_20, %dma_wait3A_208] : memref<10240x128xf32, #tpu.memory_space<vmem_shared>> -> memref<128x128xf32, #tpu.memory_space<vmem_shared>>
      %dma_wait3A_210 = arith.constant 0 : i32
      %dma_wait3A_211 = tpu.memref_slice %arg14[%add3A_20, %dma_wait3A_210] : memref<10240x128xf32, #tpu.memory_space<vmem_shared>> -> memref<128x128xf32, #tpu.memory_space<vmem_shared>>
      tpu.wait_dma2 semaphore(%run_scoped3A : memref<!tpu.dma_semaphore, #tpu.memory_space<semaphore_mem>>) src(%arg7 : memref<128x128xf32, #tpu.memory_space<vmem>>) dst(%dma_wait3A_211 : memref<128x128xf32, #tpu.memory_space<vmem_shared>>)
      tpu.yield
    }) : () -> ()
    %add3A_21 = arith.constant 512 : i32
    %add3A_22 = arith.addi %mul3A_12, %add3A_21 : i32
    "tpu.region"() ({
      %run_scoped3A = tpu.sem_alloc : memref<!tpu.dma_semaphore, #tpu.memory_space<semaphore_mem>>
      %dma_start3A_204 = arith.constant 0 : i32
      %dma_start3A_205 = tpu.memref_slice %arg14[%add3A_22, %dma_start3A_204] : memref<10240x128xf32, #tpu.memory_space<vmem_shared>> -> memref<128x128xf32, #tpu.memory_space<vmem_shared>>
      %dma_start3A_206 = arith.constant 0 : i32
      %dma_start3A_207 = tpu.memref_slice %arg14[%add3A_22, %dma_start3A_206] : memref<10240x128xf32, #tpu.memory_space<vmem_shared>> -> memref<128x128xf32, #tpu.memory_space<vmem_shared>>
      tpu.enqueue_dma source(%arg7 : memref<128x128xf32, #tpu.memory_space<vmem>>) target(%dma_start3A_207 : memref<128x128xf32, #tpu.memory_space<vmem_shared>>) target_semaphore(%run_scoped3A : memref<!tpu.dma_semaphore, #tpu.memory_space<semaphore_mem>>)
      %dma_wait3A_208 = arith.constant 0 : i32
      %dma_wait3A_209 = tpu.memref_slice %arg14[%add3A_22, %dma_wait3A_208] : memref<10240x128xf32, #tpu.memory_space<vmem_shared>> -> memref<128x128xf32, #tpu.memory_space<vmem_shared>>
      %dma_wait3A_210 = arith.constant 0 : i32
      %dma_wait3A_211 = tpu.memref_slice %arg14[%add3A_22, %dma_wait3A_210] : memref<10240x128xf32, #tpu.memory_space<vmem_shared>> -> memref<128x128xf32, #tpu.memory_space<vmem_shared>>
      tpu.wait_dma2 semaphore(%run_scoped3A : memref<!tpu.dma_semaphore, #tpu.memory_space<semaphore_mem>>) src(%arg7 : memref<128x128xf32, #tpu.memory_space<vmem>>) dst(%dma_wait3A_211 : memref<128x128xf32, #tpu.memory_space<vmem_shared>>)
      tpu.yield
    }) : () -> ()
    %barrier3A = arith.constant 0 : index
    tpu.barrier barrier_id(%barrier3A)
    %eq3A = arith.constant 0 : i32
    %eq3A_23 = arith.cmpi eq, %arg0, %eq3A : i32
    %jit3A = arith.constant 80 : i32
    %jit3A_24 = arith.constant 80 : i32
    %select_n3A = arith.select %eq3A_23, %jit3A, %jit3A_24 : i32
    %eq3A_25 = arith.constant 0 : i32
    %eq3A_26 = arith.cmpi eq, %arg0, %eq3A_25 : i32
    %mul3A_27 = arith.constant 80 : i32
    %mul3A_28 = arith.muli %arg1, %mul3A_27 : i32
    %mul3A_29 = arith.constant 80 : i32
    %mul3A_30 = arith.muli %arg1, %mul3A_29 : i32
    %add3A_31 = arith.constant 1280 : i32
    %add3A_32 = arith.addi %add3A_31, %mul3A_30 : i32
    %select_n3A_33 = arith.select %eq3A_26, %mul3A_28, %add3A_32 : i32
    %mul3A_34 = arith.constant 128 : i32
    %mul3A_35 = arith.muli %select_n3A_33, %mul3A_34 : i32
    %broadcast_in_dim3A_36 = arith.constant 1.000000e+00 : f32
    %broadcast_in_dim3A_37 = vector.broadcast %broadcast_in_dim3A_36 : f32 to vector<16xf32>
    %add3A_38 = arith.constant 0 : i32
    %add3A_39 = arith.addi %mul3A_35, %add3A_38 : i32
    %dma_start3A = tpu.memref_slice %arg3[%add3A_39] : memref<327680xi32, #tpu.memory_space<hbm>> -> memref<128xi32, #tpu.memory_space<hbm>>
    %dma_start3A_40 = tpu.memref_slice %arg3[%add3A_39] : memref<327680xi32, #tpu.memory_space<hbm>> -> memref<128xi32, #tpu.memory_space<hbm>>
    tpu.enqueue_dma source(%dma_start3A_40 : memref<128xi32, #tpu.memory_space<hbm>>) target(%arg9 : memref<128xi32, #tpu.memory_space<vmem>>) target_semaphore(%arg19 : memref<!tpu.dma_semaphore, #tpu.memory_space<semaphore_mem>>)
    %add3A_41 = arith.constant 0 : i32
    %add3A_42 = arith.addi %mul3A_35, %add3A_41 : i32
    %dma_start3A_43 = tpu.memref_slice %arg4[%add3A_42] : memref<327680xi32, #tpu.memory_space<hbm>> -> memref<128xi32, #tpu.memory_space<hbm>>
    %dma_start3A_44 = tpu.memref_slice %arg4[%add3A_42] : memref<327680xi32, #tpu.memory_space<hbm>> -> memref<128xi32, #tpu.memory_space<hbm>>
    tpu.enqueue_dma source(%dma_start3A_44 : memref<128xi32, #tpu.memory_space<hbm>>) target(%arg11 : memref<128xi32, #tpu.memory_space<vmem>>) target_semaphore(%arg21 : memref<!tpu.dma_semaphore, #tpu.memory_space<semaphore_mem>>)
    %add3A_45 = arith.constant 128 : i32
    %add3A_46 = arith.addi %mul3A_35, %add3A_45 : i32
    %dma_start3A_47 = tpu.memref_slice %arg3[%add3A_46] : memref<327680xi32, #tpu.memory_space<hbm>> -> memref<128xi32, #tpu.memory_space<hbm>>
    %dma_start3A_48 = tpu.memref_slice %arg3[%add3A_46] : memref<327680xi32, #tpu.memory_space<hbm>> -> memref<128xi32, #tpu.memory_space<hbm>>
    tpu.enqueue_dma source(%dma_start3A_48 : memref<128xi32, #tpu.memory_space<hbm>>) target(%arg10 : memref<128xi32, #tpu.memory_space<vmem>>) target_semaphore(%arg20 : memref<!tpu.dma_semaphore, #tpu.memory_space<semaphore_mem>>)
    %dma_wait3A = arith.constant 0 : i32
    %dma_wait3A_49 = tpu.memref_slice %arg3[%dma_wait3A] : memref<327680xi32, #tpu.memory_space<hbm>> -> memref<128xi32, #tpu.memory_space<hbm>>
    %dma_wait3A_50 = arith.constant 0 : i32
    %dma_wait3A_51 = tpu.memref_slice %arg3[%dma_wait3A_50] : memref<327680xi32, #tpu.memory_space<hbm>> -> memref<128xi32, #tpu.memory_space<hbm>>
    tpu.wait_dma2 semaphore(%arg19 : memref<!tpu.dma_semaphore, #tpu.memory_space<semaphore_mem>>) src(%dma_wait3A_51 : memref<128xi32, #tpu.memory_space<hbm>>) dst(%arg9 : memref<128xi32, #tpu.memory_space<vmem>>)
    %dma_start3A_52 = arith.constant 0 : i32
    %dma_start3A_53 = arith.constant 0 : i32
    %dma_start3A_54 = tpu.memref_slice %arg2[%dma_start3A_52, %dma_start3A_53] : memref<10000x128xf32, #tpu.memory_space<hbm>> -> memref<10000x128xf32, #tpu.memory_space<hbm>>
    tpu.enqueue_indirect_dma source(%dma_start3A_54 : memref<10000x128xf32, #tpu.memory_space<hbm>>) target(%arg7 : memref<128x128xf32, #tpu.memory_space<vmem>>) offsets(%arg9 : memref<128xi32, #tpu.memory_space<vmem>>) semaphore(%arg15 : memref<!tpu.dma_semaphore, #tpu.memory_space<semaphore_mem>>)
    %dma_wait3A_55 = arith.constant 0 : i32
    %dma_wait3A_56 = arith.constant 0 : i32
    %dma_wait3A_57 = tpu.memref_slice %arg2[%dma_wait3A_55, %dma_wait3A_56] : memref<10000x128xf32, #tpu.memory_space<hbm>> -> memref<10000x128xf32, #tpu.memory_space<hbm>>
    tpu.wait_indirect_dma semaphore(%arg15 : memref<!tpu.dma_semaphore, #tpu.memory_space<semaphore_mem>>) src(%dma_wait3A_57 : memref<10000x128xf32, #tpu.memory_space<hbm>>) dst(%arg7 : memref<128x128xf32, #tpu.memory_space<vmem>>)
    %dma_wait3A_58 = arith.constant 0 : i32
    %dma_wait3A_59 = tpu.memref_slice %arg3[%dma_wait3A_58] : memref<327680xi32, #tpu.memory_space<hbm>> -> memref<128xi32, #tpu.memory_space<hbm>>
    %dma_wait3A_60 = arith.constant 0 : i32
    %dma_wait3A_61 = tpu.memref_slice %arg3[%dma_wait3A_60] : memref<327680xi32, #tpu.memory_space<hbm>> -> memref<128xi32, #tpu.memory_space<hbm>>
    tpu.wait_dma2 semaphore(%arg20 : memref<!tpu.dma_semaphore, #tpu.memory_space<semaphore_mem>>) src(%dma_wait3A_61 : memref<128xi32, #tpu.memory_space<hbm>>) dst(%arg10 : memref<128xi32, #tpu.memory_space<vmem>>)
    %dma_start3A_62 = arith.constant 0 : i32
    %dma_start3A_63 = arith.constant 0 : i32
    %dma_start3A_64 = tpu.memref_slice %arg2[%dma_start3A_62, %dma_start3A_63] : memref<10000x128xf32, #tpu.memory_space<hbm>> -> memref<10000x128xf32, #tpu.memory_space<hbm>>
    tpu.enqueue_indirect_dma source(%dma_start3A_64 : memref<10000x128xf32, #tpu.memory_space<hbm>>) target(%arg8 : memref<128x128xf32, #tpu.memory_space<vmem>>) offsets(%arg10 : memref<128xi32, #tpu.memory_space<vmem>>) semaphore(%arg16 : memref<!tpu.dma_semaphore, #tpu.memory_space<semaphore_mem>>)
    %add3A_65 = arith.constant 256 : i32
    %add3A_66 = arith.addi %mul3A_35, %add3A_65 : i32
    %dma_start3A_67 = tpu.memref_slice %arg3[%add3A_66] : memref<327680xi32, #tpu.memory_space<hbm>> -> memref<128xi32, #tpu.memory_space<hbm>>
    %dma_start3A_68 = tpu.memref_slice %arg3[%add3A_66] : memref<327680xi32, #tpu.memory_space<hbm>> -> memref<128xi32, #tpu.memory_space<hbm>>
    tpu.enqueue_dma source(%dma_start3A_68 : memref<128xi32, #tpu.memory_space<hbm>>) target(%arg9 : memref<128xi32, #tpu.memory_space<vmem>>) target_semaphore(%arg19 : memref<!tpu.dma_semaphore, #tpu.memory_space<semaphore_mem>>)
    %add3A_69 = arith.constant 128 : i32
    %add3A_70 = arith.addi %mul3A_35, %add3A_69 : i32
    %dma_start3A_71 = tpu.memref_slice %arg4[%add3A_70] : memref<327680xi32, #tpu.memory_space<hbm>> -> memref<128xi32, #tpu.memory_space<hbm>>
    %dma_start3A_72 = tpu.memref_slice %arg4[%add3A_70] : memref<327680xi32, #tpu.memory_space<hbm>> -> memref<128xi32, #tpu.memory_space<hbm>>
    tpu.enqueue_dma source(%dma_start3A_72 : memref<128xi32, #tpu.memory_space<hbm>>) target(%arg12 : memref<128xi32, #tpu.memory_space<vmem>>) target_semaphore(%arg22 : memref<!tpu.dma_semaphore, #tpu.memory_space<semaphore_mem>>)
    %dma_wait3A_73 = arith.constant 0 : i32
    %dma_wait3A_74 = tpu.memref_slice %arg4[%dma_wait3A_73] : memref<327680xi32, #tpu.memory_space<hbm>> -> memref<128xi32, #tpu.memory_space<hbm>>
    %dma_wait3A_75 = arith.constant 0 : i32
    %dma_wait3A_76 = tpu.memref_slice %arg4[%dma_wait3A_75] : memref<327680xi32, #tpu.memory_space<hbm>> -> memref<128xi32, #tpu.memory_space<hbm>>
    tpu.wait_dma2 semaphore(%arg21 : memref<!tpu.dma_semaphore, #tpu.memory_space<semaphore_mem>>) src(%dma_wait3A_76 : memref<128xi32, #tpu.memory_space<hbm>>) dst(%arg11 : memref<128xi32, #tpu.memory_space<vmem>>)
    %dma_start3A_77 = arith.constant 0 : i32
    %dma_start3A_78 = arith.constant 0 : i32
    %dma_start3A_79 = tpu.memref_slice %arg14[%dma_start3A_77, %dma_start3A_78] : memref<10240x128xf32, #tpu.memory_space<vmem_shared>> -> memref<10240x128xf32, #tpu.memory_space<vmem_shared>>
    tpu.enqueue_indirect_dma source(%arg7 : memref<128x128xf32, #tpu.memory_space<vmem>>) target(%dma_start3A_79 : memref<10240x128xf32, #tpu.memory_space<vmem_shared>>) offsets(%arg11 : memref<128xi32, #tpu.memory_space<vmem>>) semaphore(%arg17 : memref<!tpu.dma_semaphore, #tpu.memory_space<semaphore_mem>>) {add = true}
    %scan3A_80 = arith.constant 0 : i32
    %scan3A_81 = arith.constant 8 : i32
    %scan3A_82 = arith.addi %scan3A_80, %scan3A_81 : i32
    %scan3A_83 = arith.constant 1 : i32
    scf.for %scan3A_204 = %scan3A_80 to %scan3A_82 step %scan3A_83  : i32 {
      %mul3A_205 = arith.constant 16 : i32
      %mul3A_206 = arith.muli %scan3A_204, %mul3A_205 : i32
      %get3A = arith.index_cast %mul3A_206 : i32 to index
      %get3A_207 = tpu.vector_load %arg11[%get3A] {strides = array<i32>} : memref<128xi32, #tpu.memory_space<vmem>>, vector<16xi32>,
      tpu.vector_store_idx %arg13[%get3A_207], %broadcast_in_dim3A_37 {add = true} : memref<10240xf32, #tpu.memory_space<vmem>>[vector<16xi32>], vector<16xf32>,
    }
    %scan3A_84 = arith.constant 8 : i32
    %dma_wait3A_85 = arith.constant 0 : i32
    %dma_wait3A_86 = arith.constant 0 : i32
    %dma_wait3A_87 = tpu.memref_slice %arg2[%dma_wait3A_85, %dma_wait3A_86] : memref<10000x128xf32, #tpu.memory_space<hbm>> -> memref<10000x128xf32, #tpu.memory_space<hbm>>
    tpu.wait_indirect_dma semaphore(%arg16 : memref<!tpu.dma_semaphore, #tpu.memory_space<semaphore_mem>>) src(%dma_wait3A_87 : memref<10000x128xf32, #tpu.memory_space<hbm>>) dst(%arg8 : memref<128x128xf32, #tpu.memory_space<vmem>>)
    %dma_wait3A_88 = arith.constant 0 : i32
    %dma_wait3A_89 = arith.constant 0 : i32
    %dma_wait3A_90 = tpu.memref_slice %arg14[%dma_wait3A_88, %dma_wait3A_89] : memref<10240x128xf32, #tpu.memory_space<vmem_shared>> -> memref<10240x128xf32, #tpu.memory_space<vmem_shared>>
    tpu.wait_indirect_dma semaphore(%arg17 : memref<!tpu.dma_semaphore, #tpu.memory_space<semaphore_mem>>) src(%arg7 : memref<128x128xf32, #tpu.memory_space<vmem>>) dst(%dma_wait3A_90 : memref<10240x128xf32, #tpu.memory_space<vmem_shared>>)
    %dma_wait3A_91 = arith.constant 0 : i32
    %dma_wait3A_92 = tpu.memref_slice %arg3[%dma_wait3A_91] : memref<327680xi32, #tpu.memory_space<hbm>> -> memref<128xi32, #tpu.memory_space<hbm>>
    %dma_wait3A_93 = arith.constant 0 : i32
    %dma_wait3A_94 = tpu.memref_slice %arg3[%dma_wait3A_93] : memref<327680xi32, #tpu.memory_space<hbm>> -> memref<128xi32, #tpu.memory_space<hbm>>
    tpu.wait_dma2 semaphore(%arg19 : memref<!tpu.dma_semaphore, #tpu.memory_space<semaphore_mem>>) src(%dma_wait3A_94 : memref<128xi32, #tpu.memory_space<hbm>>) dst(%arg9 : memref<128xi32, #tpu.memory_space<vmem>>)
    %dma_start3A_95 = arith.constant 0 : i32
    %dma_start3A_96 = arith.constant 0 : i32
    %dma_start3A_97 = tpu.memref_slice %arg2[%dma_start3A_95, %dma_start3A_96] : memref<10000x128xf32, #tpu.memory_space<hbm>> -> memref<10000x128xf32, #tpu.memory_space<hbm>>
    tpu.enqueue_indirect_dma source(%dma_start3A_97 : memref<10000x128xf32, #tpu.memory_space<hbm>>) target(%arg7 : memref<128x128xf32, #tpu.memory_space<vmem>>) offsets(%arg9 : memref<128xi32, #tpu.memory_space<vmem>>) semaphore(%arg15 : memref<!tpu.dma_semaphore, #tpu.memory_space<semaphore_mem>>)
    %add3A_98 = arith.constant 384 : i32
    %add3A_99 = arith.addi %mul3A_35, %add3A_98 : i32
    %dma_start3A_100 = tpu.memref_slice %arg3[%add3A_99] : memref<327680xi32, #tpu.memory_space<hbm>> -> memref<128xi32, #tpu.memory_space<hbm>>
    %dma_start3A_101 = tpu.memref_slice %arg3[%add3A_99] : memref<327680xi32, #tpu.memory_space<hbm>> -> memref<128xi32, #tpu.memory_space<hbm>>
    tpu.enqueue_dma source(%dma_start3A_101 : memref<128xi32, #tpu.memory_space<hbm>>) target(%arg10 : memref<128xi32, #tpu.memory_space<vmem>>) target_semaphore(%arg20 : memref<!tpu.dma_semaphore, #tpu.memory_space<semaphore_mem>>)
    %add3A_102 = arith.constant 256 : i32
    %add3A_103 = arith.addi %mul3A_35, %add3A_102 : i32
    %dma_start3A_104 = tpu.memref_slice %arg4[%add3A_103] : memref<327680xi32, #tpu.memory_space<hbm>> -> memref<128xi32, #tpu.memory_space<hbm>>
    %dma_start3A_105 = tpu.memref_slice %arg4[%add3A_103] : memref<327680xi32, #tpu.memory_space<hbm>> -> memref<128xi32, #tpu.memory_space<hbm>>
    tpu.enqueue_dma source(%dma_start3A_105 : memref<128xi32, #tpu.memory_space<hbm>>) target(%arg11 : memref<128xi32, #tpu.memory_space<vmem>>) target_semaphore(%arg21 : memref<!tpu.dma_semaphore, #tpu.memory_space<semaphore_mem>>)
    %dma_wait3A_106 = arith.constant 0 : i32
    %dma_wait3A_107 = tpu.memref_slice %arg4[%dma_wait3A_106] : memref<327680xi32, #tpu.memory_space<hbm>> -> memref<128xi32, #tpu.memory_space<hbm>>
    %dma_wait3A_108 = arith.constant 0 : i32
    %dma_wait3A_109 = tpu.memref_slice %arg4[%dma_wait3A_108] : memref<327680xi32, #tpu.memory_space<hbm>> -> memref<128xi32, #tpu.memory_space<hbm>>
    tpu.wait_dma2 semaphore(%arg22 : memref<!tpu.dma_semaphore, #tpu.memory_space<semaphore_mem>>) src(%dma_wait3A_109 : memref<128xi32, #tpu.memory_space<hbm>>) dst(%arg12 : memref<128xi32, #tpu.memory_space<vmem>>)
    %dma_start3A_110 = arith.constant 0 : i32
    %dma_start3A_111 = arith.constant 0 : i32
    %dma_start3A_112 = tpu.memref_slice %arg14[%dma_start3A_110, %dma_start3A_111] : memref<10240x128xf32, #tpu.memory_space<vmem_shared>> -> memref<10240x128xf32, #tpu.memory_space<vmem_shared>>
    tpu.enqueue_indirect_dma source(%arg8 : memref<128x128xf32, #tpu.memory_space<vmem>>) target(%dma_start3A_112 : memref<10240x128xf32, #tpu.memory_space<vmem_shared>>) offsets(%arg12 : memref<128xi32, #tpu.memory_space<vmem>>) semaphore(%arg18 : memref<!tpu.dma_semaphore, #tpu.memory_space<semaphore_mem>>) {add = true}
    %scan3A_113 = arith.constant 0 : i32
    %scan3A_114 = arith.constant 8 : i32
    %scan3A_115 = arith.addi %scan3A_113, %scan3A_114 : i32
    %scan3A_116 = arith.constant 1 : i32
    scf.for %scan3A_204 = %scan3A_113 to %scan3A_115 step %scan3A_116  : i32 {
      %mul3A_205 = arith.constant 16 : i32
      %mul3A_206 = arith.muli %scan3A_204, %mul3A_205 : i32
      %get3A = arith.index_cast %mul3A_206 : i32 to index
      %get3A_207 = tpu.vector_load %arg12[%get3A] {strides = array<i32>} : memref<128xi32, #tpu.memory_space<vmem>>, vector<16xi32>,
      tpu.vector_store_idx %arg13[%get3A_207], %broadcast_in_dim3A_37 {add = true} : memref<10240xf32, #tpu.memory_space<vmem>>[vector<16xi32>], vector<16xf32>,
    }
    %scan3A_117 = arith.constant 8 : i32
    %sub3A = arith.constant 2 : i32
    %sub3A_118 = arith.subi %select_n3A, %sub3A : i32
    %jit3A_119 = arith.constant 2 : i32
    %div3A = arith.divsi %sub3A_118, %jit3A_119 : i32
    %sign3A = arith.constant 0 : i32
    %sign3A_120 = arith.cmpi sgt, %sub3A_118, %sign3A : i32
    %sign3A_121 = arith.extui %sign3A_120 : i1 to i32
    %sign3A_122 = arith.constant 0 : i32
    %sign3A_123 = arith.cmpi slt, %sub3A_118, %sign3A_122 : i32
    %sign3A_124 = arith.extui %sign3A_123 : i1 to i32
    %sign3A_125 = arith.subi %sign3A_121, %sign3A_124 : i32
    %sign3A_126 = arith.constant 0 : i32
    %sign3A_127 = arith.cmpi sgt, %jit3A_119, %sign3A_126 : i32
    %sign3A_128 = arith.extui %sign3A_127 : i1 to i32
    %sign3A_129 = arith.constant 0 : i32
    %sign3A_130 = arith.cmpi slt, %jit3A_119, %sign3A_129 : i32
    %sign3A_131 = arith.extui %sign3A_130 : i1 to i32
    %sign3A_132 = arith.subi %sign3A_128, %sign3A_131 : i32
    %ne3A = arith.cmpi ne, %sign3A_125, %sign3A_132 : i32
    %rem3A = arith.remsi %sub3A_118, %jit3A_119 : i32
    %ne3A_133 = arith.constant 0 : i32
    %ne3A_134 = arith.cmpi ne, %rem3A, %ne3A_133 : i32
    %and3A = arith.andi %ne3A, %ne3A_134 : i1
    %sub3A_135 = arith.constant 1 : i32
    %sub3A_136 = arith.subi %div3A, %sub3A_135 : i32
    %select_n3A_137 = arith.select %and3A, %sub3A_136, %div3A : i32
    %while3A = arith.constant 1 : i32
    %while3A_138 = arith.subi %select_n3A_137, %while3A : i32
    %while3A_139 = arith.addi %while3A, %while3A_138 : i32
    %while3A_140 = arith.constant 1 : i32
    %while3A_141 = arith.divsi %while3A_138, %while3A_140 : i32
    %while3A_142 = arith.muli %while3A_141, %while3A_140 : i32
    %while3A_143 = arith.addi %while3A, %while3A_142 : i32
    %while3A_144 = arith.constant 1 : i32
    scf.for %while3A_204 = %while3A to %while3A_143 step %while3A_144  : i32 {
      %mul3A_205 = arith.constant 2 : i32
      %mul3A_206 = arith.muli %mul3A_205, %while3A_204 : i32
      %dma_wait3A_207 = arith.constant 0 : i32
      %dma_wait3A_208 = arith.constant 0 : i32
      %dma_wait3A_209 = tpu.memref_slice %arg2[%dma_wait3A_207, %dma_wait3A_208] : memref<10000x128xf32, #tpu.memory_space<hbm>> -> memref<10000x128xf32, #tpu.memory_space<hbm>>
      tpu.wait_indirect_dma semaphore(%arg15 : memref<!tpu.dma_semaphore, #tpu.memory_space<semaphore_mem>>) src(%dma_wait3A_209 : memref<10000x128xf32, #tpu.memory_space<hbm>>) dst(%arg7 : memref<128x128xf32, #tpu.memory_space<vmem>>)
      %dma_wait3A_210 = arith.constant 0 : i32
      %dma_wait3A_211 = arith.constant 0 : i32
      %dma_wait3A_212 = tpu.memref_slice %arg14[%dma_wait3A_210, %dma_wait3A_211] : memref<10240x128xf32, #tpu.memory_space<vmem_shared>> -> memref<10240x128xf32, #tpu.memory_space<vmem_shared>>
      tpu.wait_indirect_dma semaphore(%arg18 : memref<!tpu.dma_semaphore, #tpu.memory_space<semaphore_mem>>) src(%arg8 : memref<128x128xf32, #tpu.memory_space<vmem>>) dst(%dma_wait3A_212 : memref<10240x128xf32, #tpu.memory_space<vmem_shared>>)
      %dma_wait3A_213 = arith.constant 0 : i32
      %dma_wait3A_214 = tpu.memref_slice %arg3[%dma_wait3A_213] : memref<327680xi32, #tpu.memory_space<hbm>> -> memref<128xi32, #tpu.memory_space<hbm>>
      %dma_wait3A_215 = arith.constant 0 : i32
      %dma_wait3A_216 = tpu.memref_slice %arg3[%dma_wait3A_215] : memref<327680xi32, #tpu.memory_space<hbm>> -> memref<128xi32, #tpu.memory_space<hbm>>
      tpu.wait_dma2 semaphore(%arg20 : memref<!tpu.dma_semaphore, #tpu.memory_space<semaphore_mem>>) src(%dma_wait3A_216 : memref<128xi32, #tpu.memory_space<hbm>>) dst(%arg10 : memref<128xi32, #tpu.memory_space<vmem>>)
      %dma_start3A_217 = arith.constant 0 : i32
      %dma_start3A_218 = arith.constant 0 : i32
      %dma_start3A_219 = tpu.memref_slice %arg2[%dma_start3A_217, %dma_start3A_218] : memref<10000x128xf32, #tpu.memory_space<hbm>> -> memref<10000x128xf32, #tpu.memory_space<hbm>>
      tpu.enqueue_indirect_dma source(%dma_start3A_219 : memref<10000x128xf32, #tpu.memory_space<hbm>>) target(%arg8 : memref<128x128xf32, #tpu.memory_space<vmem>>) offsets(%arg10 : memref<128xi32, #tpu.memory_space<vmem>>) semaphore(%arg16 : memref<!tpu.dma_semaphore, #tpu.memory_space<semaphore_mem>>)
      %add3A_220 = arith.constant 2 : i32
      %add3A_221 = arith.addi %mul3A_206, %add3A_220 : i32
      %mul3A_222 = arith.constant 128 : i32
      %mul3A_223 = arith.muli %add3A_221, %mul3A_222 : i32
      %add3A_224 = arith.addi %mul3A_35, %mul3A_223 : i32
      %dma_start3A_225 = tpu.memref_slice %arg3[%add3A_224] : memref<327680xi32, #tpu.memory_space<hbm>> -> memref<128xi32, #tpu.memory_space<hbm>>
      %dma_start3A_226 = tpu.memref_slice %arg3[%add3A_224] : memref<327680xi32, #tpu.memory_space<hbm>> -> memref<128xi32, #tpu.memory_space<hbm>>
      tpu.enqueue_dma source(%dma_start3A_226 : memref<128xi32, #tpu.memory_space<hbm>>) target(%arg9 : memref<128xi32, #tpu.memory_space<vmem>>) target_semaphore(%arg19 : memref<!tpu.dma_semaphore, #tpu.memory_space<semaphore_mem>>)
      %add3A_227 = arith.constant 1 : i32
      %add3A_228 = arith.addi %mul3A_206, %add3A_227 : i32
      %mul3A_229 = arith.constant 128 : i32
      %mul3A_230 = arith.muli %add3A_228, %mul3A_229 : i32
      %add3A_231 = arith.addi %mul3A_35, %mul3A_230 : i32
      %dma_start3A_232 = tpu.memref_slice %arg4[%add3A_231] : memref<327680xi32, #tpu.memory_space<hbm>> -> memref<128xi32, #tpu.memory_space<hbm>>
      %dma_start3A_233 = tpu.memref_slice %arg4[%add3A_231] : memref<327680xi32, #tpu.memory_space<hbm>> -> memref<128xi32, #tpu.memory_space<hbm>>
      tpu.enqueue_dma source(%dma_start3A_233 : memref<128xi32, #tpu.memory_space<hbm>>) target(%arg12 : memref<128xi32, #tpu.memory_space<vmem>>) target_semaphore(%arg22 : memref<!tpu.dma_semaphore, #tpu.memory_space<semaphore_mem>>)
      %dma_wait3A_234 = arith.constant 0 : i32
      %dma_wait3A_235 = tpu.memref_slice %arg4[%dma_wait3A_234] : memref<327680xi32, #tpu.memory_space<hbm>> -> memref<128xi32, #tpu.memory_space<hbm>>
      %dma_wait3A_236 = arith.constant 0 : i32
      %dma_wait3A_237 = tpu.memref_slice %arg4[%dma_wait3A_236] : memref<327680xi32, #tpu.memory_space<hbm>> -> memref<128xi32, #tpu.memory_space<hbm>>
      tpu.wait_dma2 semaphore(%arg21 : memref<!tpu.dma_semaphore, #tpu.memory_space<semaphore_mem>>) src(%dma_wait3A_237 : memref<128xi32, #tpu.memory_space<hbm>>) dst(%arg11 : memref<128xi32, #tpu.memory_space<vmem>>)
      %dma_start3A_238 = arith.constant 0 : i32
      %dma_start3A_239 = arith.constant 0 : i32
      %dma_start3A_240 = tpu.memref_slice %arg14[%dma_start3A_238, %dma_start3A_239] : memref<10240x128xf32, #tpu.memory_space<vmem_shared>> -> memref<10240x128xf32, #tpu.memory_space<vmem_shared>>
      tpu.enqueue_indirect_dma source(%arg7 : memref<128x128xf32, #tpu.memory_space<vmem>>) target(%dma_start3A_240 : memref<10240x128xf32, #tpu.memory_space<vmem_shared>>) offsets(%arg11 : memref<128xi32, #tpu.memory_space<vmem>>) semaphore(%arg17 : memref<!tpu.dma_semaphore, #tpu.memory_space<semaphore_mem>>) {add = true}
      %scan3A_241 = arith.constant 0 : i32
      %scan3A_242 = arith.constant 8 : i32
      %scan3A_243 = arith.addi %scan3A_241, %scan3A_242 : i32
      %scan3A_244 = arith.constant 1 : i32
      scf.for %scan3A_287 = %scan3A_241 to %scan3A_243 step %scan3A_244  : i32 {
        %mul3A_288 = arith.constant 16 : i32
        %mul3A_289 = arith.muli %scan3A_287, %mul3A_288 : i32
        %get3A = arith.index_cast %mul3A_289 : i32 to index
        %get3A_290 = tpu.vector_load %arg11[%get3A] {strides = array<i32>} : memref<128xi32, #tpu.memory_space<vmem>>, vector<16xi32>,
        tpu.vector_store_idx %arg13[%get3A_290], %broadcast_in_dim3A_37 {add = true} : memref<10240xf32, #tpu.memory_space<vmem>>[vector<16xi32>], vector<16xf32>,
      }
      %scan3A_245 = arith.constant 8 : i32
      %add3A_246 = arith.constant 1 : i32
      %add3A_247 = arith.addi %mul3A_206, %add3A_246 : i32
      %dma_wait3A_248 = arith.constant 0 : i32
      %dma_wait3A_249 = arith.constant 0 : i32
      %dma_wait3A_250 = tpu.memref_slice %arg2[%dma_wait3A_248, %dma_wait3A_249] : memref<10000x128xf32, #tpu.memory_space<hbm>> -> memref<10000x128xf32, #tpu.memory_space<hbm>>
      tpu.wait_indirect_dma semaphore(%arg16 : memref<!tpu.dma_semaphore, #tpu.memory_space<semaphore_mem>>) src(%dma_wait3A_250 : memref<10000x128xf32, #tpu.memory_space<hbm>>) dst(%arg8 : memref<128x128xf32, #tpu.memory_space<vmem>>)
      %dma_wait3A_251 = arith.constant 0 : i32
      %dma_wait3A_252 = arith.constant 0 : i32
      %dma_wait3A_253 = tpu.memref_slice %arg14[%dma_wait3A_251, %dma_wait3A_252] : memref<10240x128xf32, #tpu.memory_space<vmem_shared>> -> memref<10240x128xf32, #tpu.memory_space<vmem_shared>>
      tpu.wait_indirect_dma semaphore(%arg17 : memref<!tpu.dma_semaphore, #tpu.memory_space<semaphore_mem>>) src(%arg7 : memref<128x128xf32, #tpu.memory_space<vmem>>) dst(%dma_wait3A_253 : memref<10240x128xf32, #tpu.memory_space<vmem_shared>>)
      %dma_wait3A_254 = arith.constant 0 : i32
      %dma_wait3A_255 = tpu.memref_slice %arg3[%dma_wait3A_254] : memref<327680xi32, #tpu.memory_space<hbm>> -> memref<128xi32, #tpu.memory_space<hbm>>
      %dma_wait3A_256 = arith.constant 0 : i32
      %dma_wait3A_257 = tpu.memref_slice %arg3[%dma_wait3A_256] : memref<327680xi32, #tpu.memory_space<hbm>> -> memref<128xi32, #tpu.memory_space<hbm>>
      tpu.wait_dma2 semaphore(%arg19 : memref<!tpu.dma_semaphore, #tpu.memory_space<semaphore_mem>>) src(%dma_wait3A_257 : memref<128xi32, #tpu.memory_space<hbm>>) dst(%arg9 : memref<128xi32, #tpu.memory_space<vmem>>)
      %dma_start3A_258 = arith.constant 0 : i32
      %dma_start3A_259 = arith.constant 0 : i32
      %dma_start3A_260 = tpu.memref_slice %arg2[%dma_start3A_258, %dma_start3A_259] : memref<10000x128xf32, #tpu.memory_space<hbm>> -> memref<10000x128xf32, #tpu.memory_space<hbm>>
      tpu.enqueue_indirect_dma source(%dma_start3A_260 : memref<10000x128xf32, #tpu.memory_space<hbm>>) target(%arg7 : memref<128x128xf32, #tpu.memory_space<vmem>>) offsets(%arg9 : memref<128xi32, #tpu.memory_space<vmem>>) semaphore(%arg15 : memref<!tpu.dma_semaphore, #tpu.memory_space<semaphore_mem>>)
      %add3A_261 = arith.constant 2 : i32
      %add3A_262 = arith.addi %add3A_247, %add3A_261 : i32
      %mul3A_263 = arith.constant 128 : i32
      %mul3A_264 = arith.muli %add3A_262, %mul3A_263 : i32
      %add3A_265 = arith.addi %mul3A_35, %mul3A_264 : i32
      %dma_start3A_266 = tpu.memref_slice %arg3[%add3A_265] : memref<327680xi32, #tpu.memory_space<hbm>> -> memref<128xi32, #tpu.memory_space<hbm>>
      %dma_start3A_267 = tpu.memref_slice %arg3[%add3A_265] : memref<327680xi32, #tpu.memory_space<hbm>> -> memref<128xi32, #tpu.memory_space<hbm>>
      tpu.enqueue_dma source(%dma_start3A_267 : memref<128xi32, #tpu.memory_space<hbm>>) target(%arg10 : memref<128xi32, #tpu.memory_space<vmem>>) target_semaphore(%arg20 : memref<!tpu.dma_semaphore, #tpu.memory_space<semaphore_mem>>)
      %add3A_268 = arith.constant 1 : i32
      %add3A_269 = arith.addi %add3A_247, %add3A_268 : i32
      %mul3A_270 = arith.constant 128 : i32
      %mul3A_271 = arith.muli %add3A_269, %mul3A_270 : i32
      %add3A_272 = arith.addi %mul3A_35, %mul3A_271 : i32
      %dma_start3A_273 = tpu.memref_slice %arg4[%add3A_272] : memref<327680xi32, #tpu.memory_space<hbm>> -> memref<128xi32, #tpu.memory_space<hbm>>
      %dma_start3A_274 = tpu.memref_slice %arg4[%add3A_272] : memref<327680xi32, #tpu.memory_space<hbm>> -> memref<128xi32, #tpu.memory_space<hbm>>
      tpu.enqueue_dma source(%dma_start3A_274 : memref<128xi32, #tpu.memory_space<hbm>>) target(%arg11 : memref<128xi32, #tpu.memory_space<vmem>>) target_semaphore(%arg21 : memref<!tpu.dma_semaphore, #tpu.memory_space<semaphore_mem>>)
      %dma_wait3A_275 = arith.constant 0 : i32
      %dma_wait3A_276 = tpu.memref_slice %arg4[%dma_wait3A_275] : memref<327680xi32, #tpu.memory_space<hbm>> -> memref<128xi32, #tpu.memory_space<hbm>>
      %dma_wait3A_277 = arith.constant 0 : i32
      %dma_wait3A_278 = tpu.memref_slice %arg4[%dma_wait3A_277] : memref<327680xi32, #tpu.memory_space<hbm>> -> memref<128xi32, #tpu.memory_space<hbm>>
      tpu.wait_dma2 semaphore(%arg22 : memref<!tpu.dma_semaphore, #tpu.memory_space<semaphore_mem>>) src(%dma_wait3A_278 : memref<128xi32, #tpu.memory_space<hbm>>) dst(%arg12 : memref<128xi32, #tpu.memory_space<vmem>>)
      %dma_start3A_279 = arith.constant 0 : i32
      %dma_start3A_280 = arith.constant 0 : i32
      %dma_start3A_281 = tpu.memref_slice %arg14[%dma_start3A_279, %dma_start3A_280] : memref<10240x128xf32, #tpu.memory_space<vmem_shared>> -> memref<10240x128xf32, #tpu.memory_space<vmem_shared>>
      tpu.enqueue_indirect_dma source(%arg8 : memref<128x128xf32, #tpu.memory_space<vmem>>) target(%dma_start3A_281 : memref<10240x128xf32, #tpu.memory_space<vmem_shared>>) offsets(%arg12 : memref<128xi32, #tpu.memory_space<vmem>>) semaphore(%arg18 : memref<!tpu.dma_semaphore, #tpu.memory_space<semaphore_mem>>) {add = true}
      %scan3A_282 = arith.constant 0 : i32
      %scan3A_283 = arith.constant 8 : i32
      %scan3A_284 = arith.addi %scan3A_282, %scan3A_283 : i32
      %scan3A_285 = arith.constant 1 : i32
      scf.for %scan3A_287 = %scan3A_282 to %scan3A_284 step %scan3A_285  : i32 {
        %mul3A_288 = arith.constant 16 : i32
        %mul3A_289 = arith.muli %scan3A_287, %mul3A_288 : i32
        %get3A = arith.index_cast %mul3A_289 : i32 to index
        %get3A_290 = tpu.vector_load %arg12[%get3A] {strides = array<i32>} : memref<128xi32, #tpu.memory_space<vmem>>, vector<16xi32>,
        tpu.vector_store_idx %arg13[%get3A_290], %broadcast_in_dim3A_37 {add = true} : memref<10240xf32, #tpu.memory_space<vmem>>[vector<16xi32>], vector<16xf32>,
      }
      %scan3A_286 = arith.constant 8 : i32
    }
    %while3A_145 = arith.constant 1 : i32
    scf.for %while3A_204 = %while3A_143 to %while3A_139 step %while3A_145  : i32 {
      %mul3A_205 = arith.constant 2 : i32
      %mul3A_206 = arith.muli %mul3A_205, %while3A_204 : i32
      %dma_wait3A_207 = arith.constant 0 : i32
      %dma_wait3A_208 = arith.constant 0 : i32
      %dma_wait3A_209 = tpu.memref_slice %arg2[%dma_wait3A_207, %dma_wait3A_208] : memref<10000x128xf32, #tpu.memory_space<hbm>> -> memref<10000x128xf32, #tpu.memory_space<hbm>>
      tpu.wait_indirect_dma semaphore(%arg15 : memref<!tpu.dma_semaphore, #tpu.memory_space<semaphore_mem>>) src(%dma_wait3A_209 : memref<10000x128xf32, #tpu.memory_space<hbm>>) dst(%arg7 : memref<128x128xf32, #tpu.memory_space<vmem>>)
      %dma_wait3A_210 = arith.constant 0 : i32
      %dma_wait3A_211 = arith.constant 0 : i32
      %dma_wait3A_212 = tpu.memref_slice %arg14[%dma_wait3A_210, %dma_wait3A_211] : memref<10240x128xf32, #tpu.memory_space<vmem_shared>> -> memref<10240x128xf32, #tpu.memory_space<vmem_shared>>
      tpu.wait_indirect_dma semaphore(%arg18 : memref<!tpu.dma_semaphore, #tpu.memory_space<semaphore_mem>>) src(%arg8 : memref<128x128xf32, #tpu.memory_space<vmem>>) dst(%dma_wait3A_212 : memref<10240x128xf32, #tpu.memory_space<vmem_shared>>)
      %dma_wait3A_213 = arith.constant 0 : i32
      %dma_wait3A_214 = tpu.memref_slice %arg3[%dma_wait3A_213] : memref<327680xi32, #tpu.memory_space<hbm>> -> memref<128xi32, #tpu.memory_space<hbm>>
      %dma_wait3A_215 = arith.constant 0 : i32
      %dma_wait3A_216 = tpu.memref_slice %arg3[%dma_wait3A_215] : memref<327680xi32, #tpu.memory_space<hbm>> -> memref<128xi32, #tpu.memory_space<hbm>>
      tpu.wait_dma2 semaphore(%arg20 : memref<!tpu.dma_semaphore, #tpu.memory_space<semaphore_mem>>) src(%dma_wait3A_216 : memref<128xi32, #tpu.memory_space<hbm>>) dst(%arg10 : memref<128xi32, #tpu.memory_space<vmem>>)
      %dma_start3A_217 = arith.constant 0 : i32
      %dma_start3A_218 = arith.constant 0 : i32
      %dma_start3A_219 = tpu.memref_slice %arg2[%dma_start3A_217, %dma_start3A_218] : memref<10000x128xf32, #tpu.memory_space<hbm>> -> memref<10000x128xf32, #tpu.memory_space<hbm>>
      tpu.enqueue_indirect_dma source(%dma_start3A_219 : memref<10000x128xf32, #tpu.memory_space<hbm>>) target(%arg8 : memref<128x128xf32, #tpu.memory_space<vmem>>) offsets(%arg10 : memref<128xi32, #tpu.memory_space<vmem>>) semaphore(%arg16 : memref<!tpu.dma_semaphore, #tpu.memory_space<semaphore_mem>>)
      %add3A_220 = arith.constant 2 : i32
      %add3A_221 = arith.addi %mul3A_206, %add3A_220 : i32
      %mul3A_222 = arith.constant 128 : i32
      %mul3A_223 = arith.muli %add3A_221, %mul3A_222 : i32
      %add3A_224 = arith.addi %mul3A_35, %mul3A_223 : i32
      %dma_start3A_225 = tpu.memref_slice %arg3[%add3A_224] : memref<327680xi32, #tpu.memory_space<hbm>> -> memref<128xi32, #tpu.memory_space<hbm>>
      %dma_start3A_226 = tpu.memref_slice %arg3[%add3A_224] : memref<327680xi32, #tpu.memory_space<hbm>> -> memref<128xi32, #tpu.memory_space<hbm>>
      tpu.enqueue_dma source(%dma_start3A_226 : memref<128xi32, #tpu.memory_space<hbm>>) target(%arg9 : memref<128xi32, #tpu.memory_space<vmem>>) target_semaphore(%arg19 : memref<!tpu.dma_semaphore, #tpu.memory_space<semaphore_mem>>)
      %add3A_227 = arith.constant 1 : i32
      %add3A_228 = arith.addi %mul3A_206, %add3A_227 : i32
      %mul3A_229 = arith.constant 128 : i32
      %mul3A_230 = arith.muli %add3A_228, %mul3A_229 : i32
      %add3A_231 = arith.addi %mul3A_35, %mul3A_230 : i32
      %dma_start3A_232 = tpu.memref_slice %arg4[%add3A_231] : memref<327680xi32, #tpu.memory_space<hbm>> -> memref<128xi32, #tpu.memory_space<hbm>>
      %dma_start3A_233 = tpu.memref_slice %arg4[%add3A_231] : memref<327680xi32, #tpu.memory_space<hbm>> -> memref<128xi32, #tpu.memory_space<hbm>>
      tpu.enqueue_dma source(%dma_start3A_233 : memref<128xi32, #tpu.memory_space<hbm>>) target(%arg12 : memref<128xi32, #tpu.memory_space<vmem>>) target_semaphore(%arg22 : memref<!tpu.dma_semaphore, #tpu.memory_space<semaphore_mem>>)
      %dma_wait3A_234 = arith.constant 0 : i32
      %dma_wait3A_235 = tpu.memref_slice %arg4[%dma_wait3A_234] : memref<327680xi32, #tpu.memory_space<hbm>> -> memref<128xi32, #tpu.memory_space<hbm>>
      %dma_wait3A_236 = arith.constant 0 : i32
      %dma_wait3A_237 = tpu.memref_slice %arg4[%dma_wait3A_236] : memref<327680xi32, #tpu.memory_space<hbm>> -> memref<128xi32, #tpu.memory_space<hbm>>
      tpu.wait_dma2 semaphore(%arg21 : memref<!tpu.dma_semaphore, #tpu.memory_space<semaphore_mem>>) src(%dma_wait3A_237 : memref<128xi32, #tpu.memory_space<hbm>>) dst(%arg11 : memref<128xi32, #tpu.memory_space<vmem>>)
      %dma_start3A_238 = arith.constant 0 : i32
      %dma_start3A_239 = arith.constant 0 : i32
      %dma_start3A_240 = tpu.memref_slice %arg14[%dma_start3A_238, %dma_start3A_239] : memref<10240x128xf32, #tpu.memory_space<vmem_shared>> -> memref<10240x128xf32, #tpu.memory_space<vmem_shared>>
      tpu.enqueue_indirect_dma source(%arg7 : memref<128x128xf32, #tpu.memory_space<vmem>>) target(%dma_start3A_240 : memref<10240x128xf32, #tpu.memory_space<vmem_shared>>) offsets(%arg11 : memref<128xi32, #tpu.memory_space<vmem>>) semaphore(%arg17 : memref<!tpu.dma_semaphore, #tpu.memory_space<semaphore_mem>>) {add = true}
      %scan3A_241 = arith.constant 0 : i32
      %scan3A_242 = arith.constant 8 : i32
      %scan3A_243 = arith.addi %scan3A_241, %scan3A_242 : i32
      %scan3A_244 = arith.constant 1 : i32
      scf.for %scan3A_287 = %scan3A_241 to %scan3A_243 step %scan3A_244  : i32 {
        %mul3A_288 = arith.constant 16 : i32
        %mul3A_289 = arith.muli %scan3A_287, %mul3A_288 : i32
        %get3A = arith.index_cast %mul3A_289 : i32 to index
        %get3A_290 = tpu.vector_load %arg11[%get3A] {strides = array<i32>} : memref<128xi32, #tpu.memory_space<vmem>>, vector<16xi32>,
        tpu.vector_store_idx %arg13[%get3A_290], %broadcast_in_dim3A_37 {add = true} : memref<10240xf32, #tpu.memory_space<vmem>>[vector<16xi32>], vector<16xf32>,
      }
      %scan3A_245 = arith.constant 8 : i32
      %add3A_246 = arith.constant 1 : i32
      %add3A_247 = arith.addi %mul3A_206, %add3A_246 : i32
      %dma_wait3A_248 = arith.constant 0 : i32
      %dma_wait3A_249 = arith.constant 0 : i32
      %dma_wait3A_250 = tpu.memref_slice %arg2[%dma_wait3A_248, %dma_wait3A_249] : memref<10000x128xf32, #tpu.memory_space<hbm>> -> memref<10000x128xf32, #tpu.memory_space<hbm>>
      tpu.wait_indirect_dma semaphore(%arg16 : memref<!tpu.dma_semaphore, #tpu.memory_space<semaphore_mem>>) src(%dma_wait3A_250 : memref<10000x128xf32, #tpu.memory_space<hbm>>) dst(%arg8 : memref<128x128xf32, #tpu.memory_space<vmem>>)
      %dma_wait3A_251 = arith.constant 0 : i32
      %dma_wait3A_252 = arith.constant 0 : i32
      %dma_wait3A_253 = tpu.memref_slice %arg14[%dma_wait3A_251, %dma_wait3A_252] : memref<10240x128xf32, #tpu.memory_space<vmem_shared>> -> memref<10240x128xf32, #tpu.memory_space<vmem_shared>>
      tpu.wait_indirect_dma semaphore(%arg17 : memref<!tpu.dma_semaphore, #tpu.memory_space<semaphore_mem>>) src(%arg7 : memref<128x128xf32, #tpu.memory_space<vmem>>) dst(%dma_wait3A_253 : memref<10240x128xf32, #tpu.memory_space<vmem_shared>>)
      %dma_wait3A_254 = arith.constant 0 : i32
      %dma_wait3A_255 = tpu.memref_slice %arg3[%dma_wait3A_254] : memref<327680xi32, #tpu.memory_space<hbm>> -> memref<128xi32, #tpu.memory_space<hbm>>
      %dma_wait3A_256 = arith.constant 0 : i32
      %dma_wait3A_257 = tpu.memref_slice %arg3[%dma_wait3A_256] : memref<327680xi32, #tpu.memory_space<hbm>> -> memref<128xi32, #tpu.memory_space<hbm>>
      tpu.wait_dma2 semaphore(%arg19 : memref<!tpu.dma_semaphore, #tpu.memory_space<semaphore_mem>>) src(%dma_wait3A_257 : memref<128xi32, #tpu.memory_space<hbm>>) dst(%arg9 : memref<128xi32, #tpu.memory_space<vmem>>)
      %dma_start3A_258 = arith.constant 0 : i32
      %dma_start3A_259 = arith.constant 0 : i32
      %dma_start3A_260 = tpu.memref_slice %arg2[%dma_start3A_258, %dma_start3A_259] : memref<10000x128xf32, #tpu.memory_space<hbm>> -> memref<10000x128xf32, #tpu.memory_space<hbm>>
      tpu.enqueue_indirect_dma source(%dma_start3A_260 : memref<10000x128xf32, #tpu.memory_space<hbm>>) target(%arg7 : memref<128x128xf32, #tpu.memory_space<vmem>>) offsets(%arg9 : memref<128xi32, #tpu.memory_space<vmem>>) semaphore(%arg15 : memref<!tpu.dma_semaphore, #tpu.memory_space<semaphore_mem>>)
      %add3A_261 = arith.constant 2 : i32
      %add3A_262 = arith.addi %add3A_247, %add3A_261 : i32
      %mul3A_263 = arith.constant 128 : i32
      %mul3A_264 = arith.muli %add3A_262, %mul3A_263 : i32
      %add3A_265 = arith.addi %mul3A_35, %mul3A_264 : i32
      %dma_start3A_266 = tpu.memref_slice %arg3[%add3A_265] : memref<327680xi32, #tpu.memory_space<hbm>> -> memref<128xi32, #tpu.memory_space<hbm>>
      %dma_start3A_267 = tpu.memref_slice %arg3[%add3A_265] : memref<327680xi32, #tpu.memory_space<hbm>> -> memref<128xi32, #tpu.memory_space<hbm>>
      tpu.enqueue_dma source(%dma_start3A_267 : memref<128xi32, #tpu.memory_space<hbm>>) target(%arg10 : memref<128xi32, #tpu.memory_space<vmem>>) target_semaphore(%arg20 : memref<!tpu.dma_semaphore, #tpu.memory_space<semaphore_mem>>)
      %add3A_268 = arith.constant 1 : i32
      %add3A_269 = arith.addi %add3A_247, %add3A_268 : i32
      %mul3A_270 = arith.constant 128 : i32
      %mul3A_271 = arith.muli %add3A_269, %mul3A_270 : i32
      %add3A_272 = arith.addi %mul3A_35, %mul3A_271 : i32
      %dma_start3A_273 = tpu.memref_slice %arg4[%add3A_272] : memref<327680xi32, #tpu.memory_space<hbm>> -> memref<128xi32, #tpu.memory_space<hbm>>
      %dma_start3A_274 = tpu.memref_slice %arg4[%add3A_272] : memref<327680xi32, #tpu.memory_space<hbm>> -> memref<128xi32, #tpu.memory_space<hbm>>
      tpu.enqueue_dma source(%dma_start3A_274 : memref<128xi32, #tpu.memory_space<hbm>>) target(%arg11 : memref<128xi32, #tpu.memory_space<vmem>>) target_semaphore(%arg21 : memref<!tpu.dma_semaphore, #tpu.memory_space<semaphore_mem>>)
      %dma_wait3A_275 = arith.constant 0 : i32
      %dma_wait3A_276 = tpu.memref_slice %arg4[%dma_wait3A_275] : memref<327680xi32, #tpu.memory_space<hbm>> -> memref<128xi32, #tpu.memory_space<hbm>>
      %dma_wait3A_277 = arith.constant 0 : i32
      %dma_wait3A_278 = tpu.memref_slice %arg4[%dma_wait3A_277] : memref<327680xi32, #tpu.memory_space<hbm>> -> memref<128xi32, #tpu.memory_space<hbm>>
      tpu.wait_dma2 semaphore(%arg22 : memref<!tpu.dma_semaphore, #tpu.memory_space<semaphore_mem>>) src(%dma_wait3A_278 : memref<128xi32, #tpu.memory_space<hbm>>) dst(%arg12 : memref<128xi32, #tpu.memory_space<vmem>>)
      %dma_start3A_279 = arith.constant 0 : i32
      %dma_start3A_280 = arith.constant 0 : i32
      %dma_start3A_281 = tpu.memref_slice %arg14[%dma_start3A_279, %dma_start3A_280] : memref<10240x128xf32, #tpu.memory_space<vmem_shared>> -> memref<10240x128xf32, #tpu.memory_space<vmem_shared>>
      tpu.enqueue_indirect_dma source(%arg8 : memref<128x128xf32, #tpu.memory_space<vmem>>) target(%dma_start3A_281 : memref<10240x128xf32, #tpu.memory_space<vmem_shared>>) offsets(%arg12 : memref<128xi32, #tpu.memory_space<vmem>>) semaphore(%arg18 : memref<!tpu.dma_semaphore, #tpu.memory_space<semaphore_mem>>) {add = true}
      %scan3A_282 = arith.constant 0 : i32
      %scan3A_283 = arith.constant 8 : i32
      %scan3A_284 = arith.addi %scan3A_282, %scan3A_283 : i32
      %scan3A_285 = arith.constant 1 : i32
      scf.for %scan3A_287 = %scan3A_282 to %scan3A_284 step %scan3A_285  : i32 {
        %mul3A_288 = arith.constant 16 : i32
        %mul3A_289 = arith.muli %scan3A_287, %mul3A_288 : i32
        %get3A = arith.index_cast %mul3A_289 : i32 to index
        %get3A_290 = tpu.vector_load %arg12[%get3A] {strides = array<i32>} : memref<128xi32, #tpu.memory_space<vmem>>, vector<16xi32>,
        tpu.vector_store_idx %arg13[%get3A_290], %broadcast_in_dim3A_37 {add = true} : memref<10240xf32, #tpu.memory_space<vmem>>[vector<16xi32>], vector<16xf32>,
      }
      %scan3A_286 = arith.constant 8 : i32
    }
    %sub3A_146 = arith.constant 2 : i32
    %sub3A_147 = arith.subi %select_n3A, %sub3A_146 : i32
    %dma_wait3A_148 = arith.constant 0 : i32
    %dma_wait3A_149 = arith.constant 0 : i32
    %dma_wait3A_150 = tpu.memref_slice %arg2[%dma_wait3A_148, %dma_wait3A_149] : memref<10000x128xf32, #tpu.memory_space<hbm>> -> memref<10000x128xf32, #tpu.memory_space<hbm>>
    tpu.wait_indirect_dma semaphore(%arg15 : memref<!tpu.dma_semaphore, #tpu.memory_space<semaphore_mem>>) src(%dma_wait3A_150 : memref<10000x128xf32, #tpu.memory_space<hbm>>) dst(%arg7 : memref<128x128xf32, #tpu.memory_space<vmem>>)
    %dma_wait3A_151 = arith.constant 0 : i32
    %dma_wait3A_152 = arith.constant 0 : i32
    %dma_wait3A_153 = tpu.memref_slice %arg14[%dma_wait3A_151, %dma_wait3A_152] : memref<10240x128xf32, #tpu.memory_space<vmem_shared>> -> memref<10240x128xf32, #tpu.memory_space<vmem_shared>>
    tpu.wait_indirect_dma semaphore(%arg18 : memref<!tpu.dma_semaphore, #tpu.memory_space<semaphore_mem>>) src(%arg8 : memref<128x128xf32, #tpu.memory_space<vmem>>) dst(%dma_wait3A_153 : memref<10240x128xf32, #tpu.memory_space<vmem_shared>>)
    %dma_wait3A_154 = arith.constant 0 : i32
    %dma_wait3A_155 = tpu.memref_slice %arg3[%dma_wait3A_154] : memref<327680xi32, #tpu.memory_space<hbm>> -> memref<128xi32, #tpu.memory_space<hbm>>
    %dma_wait3A_156 = arith.constant 0 : i32
    %dma_wait3A_157 = tpu.memref_slice %arg3[%dma_wait3A_156] : memref<327680xi32, #tpu.memory_space<hbm>> -> memref<128xi32, #tpu.memory_space<hbm>>
    tpu.wait_dma2 semaphore(%arg20 : memref<!tpu.dma_semaphore, #tpu.memory_space<semaphore_mem>>) src(%dma_wait3A_157 : memref<128xi32, #tpu.memory_space<hbm>>) dst(%arg10 : memref<128xi32, #tpu.memory_space<vmem>>)
    %dma_start3A_158 = arith.constant 0 : i32
    %dma_start3A_159 = arith.constant 0 : i32
    %dma_start3A_160 = tpu.memref_slice %arg2[%dma_start3A_158, %dma_start3A_159] : memref<10000x128xf32, #tpu.memory_space<hbm>> -> memref<10000x128xf32, #tpu.memory_space<hbm>>
    tpu.enqueue_indirect_dma source(%dma_start3A_160 : memref<10000x128xf32, #tpu.memory_space<hbm>>) target(%arg8 : memref<128x128xf32, #tpu.memory_space<vmem>>) offsets(%arg10 : memref<128xi32, #tpu.memory_space<vmem>>) semaphore(%arg16 : memref<!tpu.dma_semaphore, #tpu.memory_space<semaphore_mem>>)
    %add3A_161 = arith.constant 1 : i32
    %add3A_162 = arith.addi %sub3A_147, %add3A_161 : i32
    %mul3A_163 = arith.constant 128 : i32
    %mul3A_164 = arith.muli %add3A_162, %mul3A_163 : i32
    %add3A_165 = arith.addi %mul3A_35, %mul3A_164 : i32
    %dma_start3A_166 = tpu.memref_slice %arg4[%add3A_165] : memref<327680xi32, #tpu.memory_space<hbm>> -> memref<128xi32, #tpu.memory_space<hbm>>
    %dma_start3A_167 = tpu.memref_slice %arg4[%add3A_165] : memref<327680xi32, #tpu.memory_space<hbm>> -> memref<128xi32, #tpu.memory_space<hbm>>
    tpu.enqueue_dma source(%dma_start3A_167 : memref<128xi32, #tpu.memory_space<hbm>>) target(%arg12 : memref<128xi32, #tpu.memory_space<vmem>>) target_semaphore(%arg22 : memref<!tpu.dma_semaphore, #tpu.memory_space<semaphore_mem>>)
    %dma_wait3A_168 = arith.constant 0 : i32
    %dma_wait3A_169 = tpu.memref_slice %arg4[%dma_wait3A_168] : memref<327680xi32, #tpu.memory_space<hbm>> -> memref<128xi32, #tpu.memory_space<hbm>>
    %dma_wait3A_170 = arith.constant 0 : i32
    %dma_wait3A_171 = tpu.memref_slice %arg4[%dma_wait3A_170] : memref<327680xi32, #tpu.memory_space<hbm>> -> memref<128xi32, #tpu.memory_space<hbm>>
    tpu.wait_dma2 semaphore(%arg21 : memref<!tpu.dma_semaphore, #tpu.memory_space<semaphore_mem>>) src(%dma_wait3A_171 : memref<128xi32, #tpu.memory_space<hbm>>) dst(%arg11 : memref<128xi32, #tpu.memory_space<vmem>>)
    %dma_start3A_172 = arith.constant 0 : i32
    %dma_start3A_173 = arith.constant 0 : i32
    %dma_start3A_174 = tpu.memref_slice %arg14[%dma_start3A_172, %dma_start3A_173] : memref<10240x128xf32, #tpu.memory_space<vmem_shared>> -> memref<10240x128xf32, #tpu.memory_space<vmem_shared>>
    tpu.enqueue_indirect_dma source(%arg7 : memref<128x128xf32, #tpu.memory_space<vmem>>) target(%dma_start3A_174 : memref<10240x128xf32, #tpu.memory_space<vmem_shared>>) offsets(%arg11 : memref<128xi32, #tpu.memory_space<vmem>>) semaphore(%arg17 : memref<!tpu.dma_semaphore, #tpu.memory_space<semaphore_mem>>) {add = true}
    %scan3A_175 = arith.constant 0 : i32
    %scan3A_176 = arith.constant 8 : i32
    %scan3A_177 = arith.addi %scan3A_175, %scan3A_176 : i32
    %scan3A_178 = arith.constant 1 : i32
    scf.for %scan3A_204 = %scan3A_175 to %scan3A_177 step %scan3A_178  : i32 {
      %mul3A_205 = arith.constant 16 : i32
      %mul3A_206 = arith.muli %scan3A_204, %mul3A_205 : i32
      %get3A = arith.index_cast %mul3A_206 : i32 to index
      %get3A_207 = tpu.vector_load %arg11[%get3A] {strides = array<i32>} : memref<128xi32, #tpu.memory_space<vmem>>, vector<16xi32>,
      tpu.vector_store_idx %arg13[%get3A_207], %broadcast_in_dim3A_37 {add = true} : memref<10240xf32, #tpu.memory_space<vmem>>[vector<16xi32>], vector<16xf32>,
    }
    %scan3A_179 = arith.constant 8 : i32
    %sub3A_180 = arith.constant 1 : i32
    %sub3A_181 = arith.subi %select_n3A, %sub3A_180 : i32
    %dma_wait3A_182 = arith.constant 0 : i32
    %dma_wait3A_183 = arith.constant 0 : i32
    %dma_wait3A_184 = tpu.memref_slice %arg2[%dma_wait3A_182, %dma_wait3A_183] : memref<10000x128xf32, #tpu.memory_space<hbm>> -> memref<10000x128xf32, #tpu.memory_space<hbm>>
    tpu.wait_indirect_dma semaphore(%arg16 : memref<!tpu.dma_semaphore, #tpu.memory_space<semaphore_mem>>) src(%dma_wait3A_184 : memref<10000x128xf32, #tpu.memory_space<hbm>>) dst(%arg8 : memref<128x128xf32, #tpu.memory_space<vmem>>)
    %dma_wait3A_185 = arith.constant 0 : i32
    %dma_wait3A_186 = arith.constant 0 : i32
    %dma_wait3A_187 = tpu.memref_slice %arg14[%dma_wait3A_185, %dma_wait3A_186] : memref<10240x128xf32, #tpu.memory_space<vmem_shared>> -> memref<10240x128xf32, #tpu.memory_space<vmem_shared>>
    tpu.wait_indirect_dma semaphore(%arg17 : memref<!tpu.dma_semaphore, #tpu.memory_space<semaphore_mem>>) src(%arg7 : memref<128x128xf32, #tpu.memory_space<vmem>>) dst(%dma_wait3A_187 : memref<10240x128xf32, #tpu.memory_space<vmem_shared>>)
    %dma_wait3A_188 = arith.constant 0 : i32
    %dma_wait3A_189 = tpu.memref_slice %arg4[%dma_wait3A_188] : memref<327680xi32, #tpu.memory_space<hbm>> -> memref<128xi32, #tpu.memory_space<hbm>>
    %dma_wait3A_190 = arith.constant 0 : i32
    %dma_wait3A_191 = tpu.memref_slice %arg4[%dma_wait3A_190] : memref<327680xi32, #tpu.memory_space<hbm>> -> memref<128xi32, #tpu.memory_space<hbm>>
    tpu.wait_dma2 semaphore(%arg22 : memref<!tpu.dma_semaphore, #tpu.memory_space<semaphore_mem>>) src(%dma_wait3A_191 : memref<128xi32, #tpu.memory_space<hbm>>) dst(%arg12 : memref<128xi32, #tpu.memory_space<vmem>>)
    %dma_start3A_192 = arith.constant 0 : i32
    %dma_start3A_193 = arith.constant 0 : i32
    %dma_start3A_194 = tpu.memref_slice %arg14[%dma_start3A_192, %dma_start3A_193] : memref<10240x128xf32, #tpu.memory_space<vmem_shared>> -> memref<10240x128xf32, #tpu.memory_space<vmem_shared>>
    tpu.enqueue_indirect_dma source(%arg8 : memref<128x128xf32, #tpu.memory_space<vmem>>) target(%dma_start3A_194 : memref<10240x128xf32, #tpu.memory_space<vmem_shared>>) offsets(%arg12 : memref<128xi32, #tpu.memory_space<vmem>>) semaphore(%arg18 : memref<!tpu.dma_semaphore, #tpu.memory_space<semaphore_mem>>) {add = true}
    %scan3A_195 = arith.constant 0 : i32
    %scan3A_196 = arith.constant 8 : i32
    %scan3A_197 = arith.addi %scan3A_195, %scan3A_196 : i32
    %scan3A_198 = arith.constant 1 : i32
    scf.for %scan3A_204 = %scan3A_195 to %scan3A_197 step %scan3A_198  : i32 {
      %mul3A_205 = arith.constant 16 : i32
      %mul3A_206 = arith.muli %scan3A_204, %mul3A_205 : i32
      %get3A = arith.index_cast %mul3A_206 : i32 to index
      %get3A_207 = tpu.vector_load %arg12[%get3A] {strides = array<i32>} : memref<128xi32, #tpu.memory_space<vmem>>, vector<16xi32>,
      tpu.vector_store_idx %arg13[%get3A_207], %broadcast_in_dim3A_37 {add = true} : memref<10240xf32, #tpu.memory_space<vmem>>[vector<16xi32>], vector<16xf32>,
    }
    %scan3A_199 = arith.constant 8 : i32
    %dma_wait3A_200 = arith.constant 0 : i32
    %dma_wait3A_201 = arith.constant 0 : i32
    %dma_wait3A_202 = tpu.memref_slice %arg14[%dma_wait3A_200, %dma_wait3A_201] : memref<10240x128xf32, #tpu.memory_space<vmem_shared>> -> memref<10240x128xf32, #tpu.memory_space<vmem_shared>>
    tpu.wait_indirect_dma semaphore(%arg18 : memref<!tpu.dma_semaphore, #tpu.memory_space<semaphore_mem>>) src(%arg8 : memref<128x128xf32, #tpu.memory_space<vmem>>) dst(%dma_wait3A_202 : memref<10240x128xf32, #tpu.memory_space<vmem_shared>>)
    %barrier3A_203 = arith.constant 0 : index
    tpu.barrier barrier_id(%barrier3A_203)
    "tpu.region"() ({
      %run_scoped3A = tpu.sem_alloc : memref<!tpu.dma_semaphore, #tpu.memory_space<semaphore_mem>>
      %dma_start3A_204 = arith.constant 0 : i32
      %dma_start3A_205 = tpu.memref_slice %arg5[%arg0, %mul3A_12, %dma_start3A_204] : memref<2x10240x128xf32, #tpu.memory_space<hbm>> -> memref<1x640x128xf32, #tpu.memory_space<hbm>>
      %dma_start3A_206 = tpu.memref_squeeze %dma_start3A_205 : memref<1x640x128xf32, #tpu.memory_space<hbm>> -> memref<640x128xf32, #tpu.memory_space<hbm>>
      %dma_start3A_207 = arith.constant 0 : i32
      %dma_start3A_208 = tpu.memref_slice %arg14[%mul3A_12, %dma_start3A_207] : memref<10240x128xf32, #tpu.memory_space<vmem_shared>> -> memref<640x128xf32, #tpu.memory_space<vmem_shared>>
      tpu.enqueue_dma source(%dma_start3A_208 : memref<640x128xf32, #tpu.memory_space<vmem_shared>>) target(%dma_start3A_206 : memref<640x128xf32, #tpu.memory_space<hbm>>) target_semaphore(%run_scoped3A : memref<!tpu.dma_semaphore, #tpu.memory_space<semaphore_mem>>)
      %dma_wait3A_209 = arith.constant 0 : i32
      %dma_wait3A_210 = tpu.memref_slice %arg5[%arg0, %mul3A_12, %dma_wait3A_209] : memref<2x10240x128xf32, #tpu.memory_space<hbm>> -> memref<1x640x128xf32, #tpu.memory_space<hbm>>
      %dma_wait3A_211 = tpu.memref_squeeze %dma_wait3A_210 : memref<1x640x128xf32, #tpu.memory_space<hbm>> -> memref<640x128xf32, #tpu.memory_space<hbm>>
      %dma_wait3A_212 = arith.constant 0 : i32
      %dma_wait3A_213 = tpu.memref_slice %arg14[%mul3A_12, %dma_wait3A_212] : memref<10240x128xf32, #tpu.memory_space<vmem_shared>> -> memref<640x128xf32, #tpu.memory_space<vmem_shared>>
      tpu.wait_dma2 semaphore(%run_scoped3A : memref<!tpu.dma_semaphore, #tpu.memory_space<semaphore_mem>>) src(%dma_wait3A_213 : memref<640x128xf32, #tpu.memory_space<vmem_shared>>) dst(%dma_wait3A_211 : memref<640x128xf32, #tpu.memory_space<hbm>>)
      tpu.yield
    }) : () -> ()
    "tpu.region"() ({
      %run_scoped3A = tpu.sem_alloc : memref<!tpu.dma_semaphore, #tpu.memory_space<semaphore_mem>>
      %dma_start3A_204 = arith.constant 0 : i32
      %dma_start3A_205 = tpu.memref_slice %arg6[%add3A, %dma_start3A_204] : memref<32x10240xf32, #tpu.memory_space<hbm>> -> memref<1x10240xf32, #tpu.memory_space<hbm>>
      %dma_start3A_206 = tpu.memref_squeeze %dma_start3A_205 : memref<1x10240xf32, #tpu.memory_space<hbm>> -> memref<10240xf32, #tpu.memory_space<hbm>>
      %dma_start3A_207 = arith.constant 0 : i32
      %dma_start3A_208 = tpu.memref_slice %arg6[%add3A, %dma_start3A_207] : memref<32x10240xf32, #tpu.memory_space<hbm>> -> memref<1x10240xf32, #tpu.memory_space<hbm>>
      %dma_start3A_209 = tpu.memref_squeeze %dma_start3A_208 : memref<1x10240xf32, #tpu.memory_space<hbm>> -> memref<10240xf32, #tpu.memory_space<hbm>>
      tpu.enqueue_dma source(%arg13 : memref<10240xf32, #tpu.memory_space<vmem>>) target(%dma_start3A_209 : memref<10240xf32, #tpu.memory_space<hbm>>) target_semaphore(%run_scoped3A : memref<!tpu.dma_semaphore, #tpu.memory_space<semaphore_mem>>)
      %dma_wait3A_210 = arith.constant 0 : i32
      %dma_wait3A_211 = tpu.memref_slice %arg6[%add3A, %dma_wait3A_210] : memref<32x10240xf32, #tpu.memory_space<hbm>> -> memref<1x10240xf32, #tpu.memory_space<hbm>>
      %dma_wait3A_212 = tpu.memref_squeeze %dma_wait3A_211 : memref<1x10240xf32, #tpu.memory_space<hbm>> -> memref<10240xf32, #tpu.memory_space<hbm>>
      %dma_wait3A_213 = arith.constant 0 : i32
      %dma_wait3A_214 = tpu.memref_slice %arg6[%add3A, %dma_wait3A_213] : memref<32x10240xf32, #tpu.memory_space<hbm>> -> memref<1x10240xf32, #tpu.memory_space<hbm>>
      %dma_wait3A_215 = tpu.memref_squeeze %dma_wait3A_214 : memref<1x10240xf32, #tpu.memory_space<hbm>> -> memref<10240xf32, #tpu.memory_space<hbm>>
      tpu.wait_dma2 semaphore(%run_scoped3A : memref<!tpu.dma_semaphore, #tpu.memory_space<semaphore_mem>>) src(%arg13 : memref<10240xf32, #tpu.memory_space<vmem>>) dst(%dma_wait3A_215 : memref<10240xf32, #tpu.memory_space<hbm>>)
      tpu.yield
    }) : () -> ()
    return
  }
}

</mosaic_0001>

<sc_bundles>
// kernel: _sc_partials.3.cloned.1.call-start
scs
__scs_entry_jumppad:
0x0: {  	(pc) =	sbr.rel $0x88, $3  }
0x1: {  	(tag) =	ssettag $0x0;
	lr =	simm.s32 $0x1  }
0x2: {  	[smem:$0x3F9E] =	sst lr;
	_ =	strace $0xD0000000  }
0x3: {  	_ = 	snop  }
0x4: {  	_ = 	snop  }
0x5: {  	_ = 	snop  }
0x6: {  	_ = 	snop  }
0x7: {  	_ = 	snop  }
__scs_overlays_trampoline_lowered:
0x8: {  	[smem:$0x3FAD] =	sst s0  }
0x9: {  	[smem:$0x3FAE] =	sst s1  }
0xa: {  	[smem:$0x3FAF] =	sst s2  }
0xb: {  	[smem:$0x3FB0] =	sst s3  }
0xc: {  	[smem:$0x3FB1] =	sst s4  }
0xd: {  	[smem:$0x3FB2] =	sst s5  }
0xe: {  	[smem:$0x3FB3] =	sst s6  }
0xf: {  	[smem:$0x3FB4] =	sst s7  }
0x10: {  	[smem:$0x3FB5] =	sst s8  }
0x11: {  	[smem:$0x3FB6] =	sst s9;
	s0 =	simm.s32 @!p0 $0x0  }
0x12: {  	s1 =	sld [smem:$0x3F9C];
	s0 =	simm.s32 @p0 $0x1  }
0x13: {  	[smem:$0x3FB7] =	sst s0;
	s0 =	simm.s32 @!p1 $0x0  }
0x14: {  	s2 =	sld [smem:$0x3F9B];
	s0 =	simm.s32 @p1 $0x1  }
0x15: {  	[smem:$0x3FB8] =	sst s0;
	s0 =	simm.s32 @!p2 $0x0  }
0x16: {  	s3 =	sld [smem:$0x3FDB];
	s0 =	simm.s32 @p2 $0x1  }
0x17: {  	s4 =	simm.s32 $0x1BF5;
	[smem:$0x3FBA] =	sst s0  }
0x18: {  	s0 =	sld [smem:$0x3F9D];
	_ =	swait.ge [sflag:s4], $0x0  }
0x19: {  	s7 =	sld [smem:$0x3F9E]  }
0x1a: {  	s8 =	sadd.s32 $0xFFFFE003, lr  }
0x1b: {  	s9 =	sadd.s32 $0xFFFFFEF7, lr;
	s5 =	simm.s32 $0xFFFFFFFF;
	p2 =	slt.u32 s8, $0xFFFFF086  }
0x1c: {  	p1 =	slt.u32 s9, $0xF7A;
	s5 =	simm.s32 @!p2 $0x0  }
0x1d: {  	s5 =	simm.s32 @p1 $0x1;
	p0 =	seq.s32 s7, s2  }
0x1e: {  	s7 =	smul.u32 @!p0 $0xF7A, s2;
	p2 =	seq.s32 @!p0 s5, $0x0  }
0x1f: {  	s9 =	smul.u32 $0xF7A, s1;
	s8 =	simm.s32 @!p0 $0x1BF5;
	p2 =	por !p2, p0  }
0x20: {  	[sflag:s8] =	ssyncset.s32 @!p0 $0xFFFFF086;
	s6 =	sadd.s32 @!p0 s3, s7;
	s7 =	simm.s32 @!p0 $0x108  }
0x21: {  	s3 =	sadd.s32 s3, s9;
	s6 =	sadd.s32 @!p0 $0x88, s6;
	s7 =	simm.s32 @p2 $0x1082  }
0x22: {  	[simem:s7], [sflag:s8] =	dma.local @!p0 [hbm:s6], $0xF7A  }
0x23: {  	s9 =	sor.u32 $0xD0000000, s2;
	s6 =	simm.s32 $0x108;
	_ =	swait.ge @!p0 [sflag:s8], $0x0  }
0x24: {  	s3 =	sadd.s32 $0x88, s3;
	s6 =	simm.s32 @!p1 $0x1082;
	[sflag:s4] =	ssyncset.s32 $0xFFFFF086  }
0x25: {  	[simem:s6], [sflag:s4] =	dma.local [hbm:s3], $0xF7A  }
0x26: {  	[smem:$0x3F9E] =	sst s1;
	(tag) =	ssettag s2;
	_ =	strace s9  }
0x27: {  	s1 =	sld [smem:$0x3FAE]  }
0x28: {  	s2 =	sld [smem:$0x3FAF]  }
0x29: {  	s4 =	sld [smem:$0x3FB1]  }
0x2a: {  	p0 =	seq.s32 s5, $0x0;
	s5 =	sld [smem:$0x3FB2]  }
0x2b: {  	s6 =	sld [smem:$0x3FB3]  }
0x2c: {  	s7 =	sld [smem:$0x3FB4]  }
0x2d: {  	s3 =	simm.s32 $0x108;
	s8 =	sld [smem:$0x3FB5]  }
0x2e: {  	s3 =	simm.s32 @!p0 $0x1082;
	s9 =	sld [smem:$0x3FB6]  }
0x2f: {  	lr =	sadd.s32 s0, s3;
	s0 =	sld [smem:$0x3FAD]  }
0x30: {  	s3 =	sld [smem:$0x3FB0]  }
0x31: {  	[smem:$0x3FB9] =	sst s10  }
0x32: {  	s10 =	sld [smem:$0x3FB7];
	_ =	sdelay $0x3  }
0x33: {  	p0 =	seq.s32 s10, $0x1;
	s10 =	sld [smem:$0x3FB9];
	_ =	sdelay $0x3  }
0x34: {  	[smem:$0x3FB9] =	sst s10  }
0x35: {  	s10 =	sld [smem:$0x3FB8];
	_ =	sdelay $0x3  }
0x36: {  	p1 =	seq.s32 s10, $0x1;
	s10 =	sld [smem:$0x3FB9];
	_ =	sdelay $0x3  }
0x37: {  	[smem:$0x3FB9] =	sst s10  }
0x38: {  	s10 =	sld [smem:$0x3FBA]  }
0x39: {  	_ = 	snop;
	(pc) =	sbr.ind lr, $3  }
0x3a: {  	_ = 	snop  }
0x3b: {  	_ = 	snop  }
0x3c: {  	p2 =	seq.s32 s10, $0x1;
	s10 =	sld [smem:$0x3FB9]  }
0x3d: {  	_ =	shalt  }
0x3e: {  	_ =	shalt  }
0x3f: {  	_ =	shalt  }
0x40: {  	_ =	shalt  }
0x41: {  	_ =	shalt  }
0x42: {  	_ =	shalt  }
0x43: {  	_ =	shalt  }
0x44: {  	_ =	shalt  }
0x45: {  	_ =	shalt  }
0x46: {  	_ =	shalt  }
0x47: {  	_ =	shalt  }
0x48: {  	_ =	shalt  }
0x49: {  	_ =	shalt  }
0x4a: {  	_ =	shalt  }
0x4b: {  	_ =	shalt  }
0x4c: {  	_ =	shalt  }
0x4d: {  	_ =	shalt  }
0x4e: {  	_ =	shalt  }
0x4f: {  	_ =	shalt  }
0x50: {  	_ =	shalt  }
0x51: {  	_ =	shalt  }
0x52: {  	_ =	shalt  }
0x53: {  	_ =	shalt  }
0x54: {  	_ =	shalt  }
0x55: {  	_ =	shalt  }
0x56: {  	_ =	shalt  }
0x57: {  	_ =	shalt  }
0x58: {  	_ =	shalt  }
0x59: {  	_ =	shalt  }
0x5a: {  	_ =	shalt  }
0x5b: {  	_ =	shalt  }
0x5c: {  	_ =	shalt  }
0x5d: {  	_ =	shalt  }
0x5e: {  	_ =	shalt  }
0x5f: {  	_ =	shalt  }
0x60: {  	_ =	shalt  }
0x61: {  	_ =	shalt  }
0x62: {  	_ =	shalt  }
0x63: {  	_ =	shalt  }
0x64: {  	_ =	shalt  }
0x65: {  	_ =	shalt  }
0x66: {  	_ =	shalt  }
0x67: {  	_ =	shalt  }
0x68: {  	_ =	shalt  }
0x69: {  	_ =	shalt  }
0x6a: {  	_ =	shalt  }
0x6b: {  	_ =	shalt  }
0x6c: {  	_ =	shalt  }
0x6d: {  	_ =	shalt  }
0x6e: {  	_ =	shalt  }
0x6f: {  	_ =	shalt  }
0x70: {  	_ =	shalt  }
0x71: {  	_ =	shalt  }
0x72: {  	_ =	shalt  }
0x73: {  	_ =	shalt  }
0x74: {  	_ =	shalt  }
0x75: {  	_ =	shalt  }
0x76: {  	_ =	shalt  }
0x77: {  	_ =	shalt  }
0x78: {  	_ =	shalt  }
0x79: {  	_ =	shalt  }
0x7a: {  	_ =	shalt  }
0x7b: {  	_ =	shalt  }
0x7c: {  	_ =	shalt  }
0x7d: {  	_ =	shalt  }
0x7e: {  	_ =	shalt  }
0x7f: {  	_ =	shalt  }
0x80: {  	_ =	shalt  }
0x81: {  	_ =	shalt  }
0x82: {  	_ =	shalt  }
0x83: {  	_ =	shalt  }
0x84: {  	_ =	shalt  }
0x85: {  	_ =	shalt  }
0x86: {  	_ =	shalt  }
0x87: {  	_ =	shalt  }
.Lfunc_end0:
.L_simem_size_0:
called_computation_lowered:
.L_overlay_start_0:
0x88: {  	s2 =	sld [smem:$0x3FD9]  }
0x89: {  	s3 =	sld [smem:$0x3FFE];
	_ =	sdelay $0x1  }
0x8a: {  	s1 =	srdreg.scid  }
0x8b: {  	s0 =	sand.u32 $0x1, s1  }
0x8c: {  	s15 =	sshll.u32 s0, $0xA;
	s2 =	sadd.s32 s3, s2  }
0x8d: {  	s2 =	sadd.s32 s2, s15  }
0x8e: {  	[smem:$0x3FC5] =	sst s2  }
0x8f: {  	_ = 	snop  }
0x90: {  	s2 =	sld [smem:$0x3FD0]  }
0x91: {  	s16 =	sld [smem:$0x3FC9]  }
0x92: {  	s4 =	sld [smem:$0x3FC8]  }
0x93: {  	s6 =	simm.s32 $0xA;
	s7 =	simm.s32 $0x10;
	s5 =	sld [smem:$0x3FC7]  }
0x94: {  	[smem:s7], [sflag:s6] =	dma.local [hbm:s2], $0x1  }
0x95: {  	_ =	swait.eq [sflag:s6], $0x1  }
0x96: {  	[sflag:s6] =	ssyncset.done $0x0  }
0x97: {  	s17 =	sld [smem:$0x10];
	[sflag:s6] =	ssyncadd.s32 $0xFFFFFFFF  }
0x98: {  	s18 =	sld [smem:$0x11];
	(tm) =	ssettm $0x1  }
0x99: {  	s19 =	sld [smem:$0x3FFB];
	_ =	sdelay $0x3  }
0x9a: {  	_ =	strace s19  }
0x9b: {  	s7 =	sld [smem:$0x3FFC];
	_ =	sdelay $0x3  }
0x9c: {  	_ =	strace s7  }
0x9d: {  	s7 =	sld [smem:$0x3FFD];
	_ =	sdelay $0x3  }
0x9e: {  	_ =	strace s7  }
0x9f: {  	_ =	strace $0x8FFFFFFF  }
0xa0: {  	s20 =	sld [smem:$0x3FDB];
	_ =	sdelay $0x1  }
0xa1: {  	s8 =	simm.s32 $_scs_section_size  }
0xa2: {  	s9 =	simm.s32 $_size__tile_overlayer_lowered;
	s10 =	simm.s32 $_tile_overlayer_lowered  }
0xa3: {  	s23 =	simm.s32 $0x1BFF;
	s22 =	sshll.u32 s10, $0x1;
	s7 =	sadd.s32 s8, s20  }
0xa4: {  	s11 =	simm.s32 $0x0;
	s21 =	sshll.u32 s9, $0x1;
	s9 =	sadd.s32 s22, s7  }
0xa5: {  	[timem:s11], [sflag:s23] =	dma.local [hbm:s9], s21  }
0xa6: {  	_ =	swait.ge [sflag:s23], s21  }
0xa7: {  	s8 =	ssub.s32 $0x0, s21;
	[sflag:s23] =	ssyncset.done $0x0  }
0xa8: {  	[sflag:s23] =	ssyncadd.s32 s8;
	_ =	sdelay $0x1  }
0xa9: {  	s24 =	simm.s32 $0x1B8B  }
0xaa: {  	_ =	swait.ge [sflag:s24], $0x1  }
0xab: {  	[sflag:s24] =	ssyncset.done $0x0  }
0xac: {  	s25 =	simm.s32 $0x1B8E;
	[sflag:s24] =	ssyncadd.s32 $0xFFFFFFFF  }
0xad: {  	s26 =	simm.s32 $execute0_lowered;
	[smem:$0x3FD2] =	sst s25  }
0xae: {  	s8 =	sshll.u32 s26, $0x1;
	_ =	strace $0x80000046;
	[dreg:$0x1] =	wrdreg $0xFFFFFFFF  }
0xaf: {  	s28 =	simm.s32 $_size_execute0_lowered;
	s7 =	sadd.s32 s7, s8;
	[dreg:$0x0] =	wrdreg $0x0  }
0xb0: {  	s8 =	sshll.u32 s28, $0x1;
	[dreg:$0x2] =	wrdreg s7  }
0xb1: {  	[dreg:$0x3] =	wrdreg s8  }
0xb2: {  	[dreg:$0x4] =	wrdreg $0xC0  }
0xb3: {  	_ =	task [dreg:s11], $0x5FFFF  }
0xb4: {  	[dreg:$0x1] =	wrdreg $0xFFFFFFFF  }
0xb5: {  	[dreg:$0x0] =	wrdreg $0x60  }
0xb6: {  	[dreg:$0x2] =	wrdreg s16  }
0xb7: {  	[dreg:$0x3] =	wrdreg s4  }
0xb8: {  	[dreg:$0x4] =	wrdreg s5  }
0xb9: {  	[dreg:$0x5] =	wrdreg s17  }
0xba: {  	[dreg:$0x6] =	wrdreg s18  }
0xbb: {  	[dreg:$0x7] =	wrdreg $0xAA000  }
0xbc: {  	[dreg:$0x8] =	wrdreg $0x9  }
0xbd: {  	_ =	task.clear_ibuf [dreg:s11], $0x9FFFF;
	_ =	strace $0x90000046  }
0xbe: {  	s29 =	simm.s32 $0x9;
	_ =	strace $0x80000048  }
0xbf: {  	_ =	swait.ge [sflag:s29], $0x1  }
0xc0: {  	[sflag:s29] =	ssyncadd.s32 $0xFFFFFFFF  }
0xc1: {  	_ =	strace $0x90000048  }
0xc2: {  	_ =	sfence  }
0xc3: {  	s30 =	sld [smem:$0x0];
	_ =	sdelay $0x2  }
0xc4: {  	s31 =	sshll.u32 s1, $0xD;
	s1 =	sshrl.u32 s1, $0x2  }
0xc5: {  	s3 =	sand.u32 $0x4000, s31;
	s1 =	sadd.s32 s1, s30  }
0xc6: {  	s0 =	sor.u32 s3, s0;
	s1 =	sshll.u32 s1, $0x11  }
0xc7: {  	s0 =	sor.u32 s1, s0  }
0xc8: {  	s0 =	sadd.s32 $0x8F2B, s0  }
0xc9: {  	[sflag:s0] =	ssyncadd.remote.s32 $0x1  }
0xca: {  	_ =	sfence.sel $0xFFFF  }
0xcb: {  	[dreg:$0x0] =	wrdreg $0xFFFFFFFF;
	(pc) =	sbr.abs _section_cstart, $3  }
0xcc: {  	[dreg:$0x1] =	wrdreg $0xFFFFFFFF  }
0xcd: {  	_ =	task.clear_ibuf [dreg:s11], $0x2FFFF;
	_ =	strace $0x9FFFFFFF  }
0xce: {  	(tm) =	ssettm $0x7FFFFFFF  }
0xcf: {  	_ =	shalt  }
tec
execute0_lowered:
.L_overlay_start_1:
0x0: {  	(tag) =	ssettag $0x1  }
0x1: {  	s0 =	rddreg [dreg:$0x0]  }
0x2: {  	s1 =	rddreg [dreg:$0x1]  }
0x3: {  	s2 =	rddreg [dreg:$0x2]  }
0x4: {  	s6 =	rddreg [dreg:$0x3]  }
0x5: {  	s7 =	rddreg [dreg:$0x4]  }
0x6: {  	s3 =	rddreg [dreg:$0x5];
	s4 =	srdreg.scid  }
0x7: {  	s17 =	stileid.u32;
	s28 =	simm.s32 $0x8100;
	s29 =	simm.s32 $0x8080  }
0x8: {  	s30 =	simm.s32 $0x5;
	s31 =	simm.s32 $0x80;
	s9 =	smul.u32 $0x50000, s17  }
0x9: {  	s8 =	sand.u32 $0x1, s4;
	s4 =	simm.s32 $0x0;
	s11 =	smul.u32 $0x2800, s17  }
0xa: {  	s15 =	smul.u32 $0x14000, s17;
	s5 =	ssub.s32 $0x2, s8;
	[smem:$0x7FF] =	sst s4  }
0xb: {  	p0 =	seq.s32 s8, $0x0;
	s14 =	smul.u32 $0x140000, s8;
	s8 =	sshll.u32 s8, $0x7  }
0xc: {  	s10 =	sshrl.u32 s5, $0x1;
	_ =	strace $0x80000047;
	s22 =	sshrl.u32 s9, $0x2  }
0xd: {  	s9 =	sadd.s32 $0x28000, s11;
	s10 =	ssub.s32 s5, s10;
	s5 =	sadd.s32 s22, s3  }
0xe: {  	s9 =	smov.u32 @p0 s11;
	s19 =	sadd.s32 s15, s14;
	s12 =	sadd.s32 $0x4000, s5  }
0xf: {  	s14 =	simm.s32 $0x8;
	s23 =	sadd.s32 $0x8000, s5;
	[dreg:$0x7] =	wrdreg s12  }
0x10: {  	s15 =	simm.s32 $0x4;
	s24 =	sadd.s32 $0xC000, s5;
	[dreg:$0x8] =	wrdreg s23  }
0x11: {  	s25 =	sadd.s32 $0x10000, s5;
	s9 =	sshrl.u32 s9, $0x3;
	[dreg:$0x9] =	wrdreg s24  }
0x12: {  	[dreg:$0xa] =	wrdreg s25;
	s21 =	sadd.s32 s1, s9;
	s22 =	sadd.s32 s2, s9  }
0x13: {  	s26 =	sor.u32 $0x10, s9;
	s13 =	sor.u32 $0x20, s9;
	s12 =	sshrl.u32 s19, $0x3  }
0x14: {  	s16 =	sadd.s32 s1, s26;
	s18 =	sadd.s32 s2, s26;
	s20 =	sadd.s32 $0x30, s21  }
0x15: {  	s23 =	sadd.s32 s2, s13;
	s24 =	sadd.s32 $0x4F0, s22;
	[dreg:$0xb] =	wrdreg s16  }
0x16: {  	s6 =	sadd.s32 s6, s12;
	s11 =	smov.u32 s21;
	[dreg:$0xd] =	wrdreg s18  }
0x17: {  	s21 =	sadd.s32 $0x50, s21;
	s26 =	sor.u32 $0x40, s9;
	[dreg:$0xe] =	wrdreg s20  }
0x18: {  	s9 =	simm.s32 $0x8200;
	s12 =	simm.s32 $0x2;
	[dreg:$0xf] =	wrdreg s23  }
0x19: {  	s16 =	sshrl.u32 s17, $0x2;
	s17 =	sshll.u32 s17, $0x8;
	[dreg:$0x10] =	wrdreg s24  }
0x1a: {  	[dreg:$0x11] =	wrdreg s6;
	s20 =	smax.u32 s10, $0x1;
	s18 =	smov.u32 s22  }
0x1b: {  	s22 =	sadd.s32 $0x30, s22;
	s23 =	sadd.s32 s26, s2;
	s24 =	sadd.s32 s26, s1  }
0x1c: {  	s26 =	simm.s32 $0x8000;
	s16 =	smul.u32 $0x14000, s16;
	s17 =	sand.u32 $0x300, s17  }
0x1d: {  	s2 =	simm.s32 $0x6;
	s6 =	simm.s32 $0x4000;
	s8 =	sor.u32 s8, s17  }
0x1e: {  	s17 =	sadd.s32 s1, s13;
	s1 =	simm.s32 $0x1;
	s8 =	sor.u32 s16, s8  }
0x1f: {  	s13 =	simm.s32 $0x3;
	[dreg:$0xc] =	wrdreg s17;
	s8 =	sshrl.u32 s8, $0x3  }
0x20: {  	s16 =	simm.s32 $0x0;
	s25 =	sadd.s32 s7, s8;
	s7 =	simm.s32 $0x8180  }
0x21: {  	v0 =	vimm.f32 $0.0e+00;
	v1 =	vimm.f32 $1.000000000e+00;
	s8 =	simm.s32 $0x7;
	[dreg:$0x12] =	wrdreg s25;
	s25 =	simm.s32 $0x9  }
.LBB2_1:
0x22: {  	s10 =	simm.s32 $0x0;
	s17 =	simm.s32 $0x200  }
.LBB2_2:
0x23: {  	p0 =	sne.s32 s17, $0xFE00;
	[tilespmem:s10+$0x70] =	vst v0  }
0x24: {  	[tilespmem:s10+$0x0] =	vst v0  }
0x25: {  	[tilespmem:s10+$0x10] =	vst v0  }
.Ltmp0:
0x26: {  	[tilespmem:s10+$0x20] =	vst v0;
	(pc) =	sbr.rel @p0 .LBB2_2-.Ltmp0, $4  }
0x27: {  	[tilespmem:s10+$0x30] =	vst v0  }
0x28: {  	[tilespmem:s10+$0x40] =	vst v0  }
0x29: {  	[tilespmem:s10+$0x50] =	vst v0  }
0x2a: {  	[tilespmem:s10+$0x60] =	vst v0;
	s10 =	sshra.s32 s17, $0x2;
	s17 =	sadd.s32 $0x200, s17  }
0x2b: {  	[tilespmem:s10+$0x70] =	vst v0  }
0x2c: {  	[tilespmem:s10+$0x0] =	vst v0  }
0x2d: {  	[tilespmem:s10+$0x10] =	vst v0  }
0x2e: {  	[tilespmem:s10+$0x20] =	vst v0  }
0x2f: {  	[tilespmem:s10+$0x30] =	vst v0  }
0x30: {  	[tilespmem:s10+$0x40] =	vst v0  }
0x31: {  	[tilespmem:s10+$0x50] =	vst v0  }
0x32: {  	[tilespmem:s10+$0x60] =	vst v0;
	s10 =	simm.s32 $0x40;
	s17 =	simm.s32 $0x0  }
.LBB2_4:
0x33: {  	p0 =	sne.s32 s10, $0x9FC0;
	[tilespmem:s17+$0x8200] =	vst v0;
	s17 =	smov.u32 s10;
	s10 =	sadd.s32 $0x40, s10  }
.Ltmp1:
0x34: {  	(pc) =	sbr.rel @p0 .LBB2_4-.Ltmp1, $2  }
0x35: {  	_ =	sdelay $0x2  }
0x36: {  	s17 =	sshra.s32 s17, $0x2  }
0x37: {  	[tilespmem:s17+$0x8200] =	vst v0;
	s10 =	simm.s32 $0x0  }
0x38: {  	[spmem:s5] =	stream.linear.scatter [tilespmem:s10], [sflag:$0x9], $0x4000, $0x38;
	[tilespmem:$0x1EA00] =	vst v63  }
0x39: {  	_ =	swait.ge [sflag:s25], $0x4000  }
0x3a: {  	[sflag:s25] =	ssyncset.done $0x0  }
0x3b: {  	s19 =	rddreg [dreg:$0x7];
	[sflag:s25] =	ssyncadd.s32 $0xFFFFC000  }
0x3c: {  	[spmem:s19] =	stream.linear.scatter [tilespmem:s10], [sflag:$0x9], $0x4000, $0x38;
	[tilespmem:$0x1EA00] =	vst v63  }
0x3d: {  	_ =	swait.ge [sflag:s25], $0x4000  }
0x3e: {  	[sflag:s25] =	ssyncset.done $0x0  }
0x3f: {  	s19 =	rddreg [dreg:$0x8];
	[sflag:s25] =	ssyncadd.s32 $0xFFFFC000  }
0x40: {  	[spmem:s19] =	stream.linear.scatter [tilespmem:s10], [sflag:$0x9], $0x4000, $0x38;
	[tilespmem:$0x1EA00] =	vst v63  }
0x41: {  	_ =	swait.ge [sflag:s25], $0x4000  }
0x42: {  	[sflag:s25] =	ssyncset.done $0x0  }
0x43: {  	s19 =	rddreg [dreg:$0x9];
	[sflag:s25] =	ssyncadd.s32 $0xFFFFC000  }
0x44: {  	[spmem:s19] =	stream.linear.scatter [tilespmem:s10], [sflag:$0x9], $0x4000, $0x38;
	[tilespmem:$0x1EA00] =	vst v63  }
0x45: {  	_ =	swait.ge [sflag:s25], $0x4000  }
0x46: {  	[sflag:s25] =	ssyncset.done $0x0  }
0x47: {  	s19 =	rddreg [dreg:$0xa];
	[sflag:s25] =	ssyncadd.s32 $0xFFFFC000  }
0x48: {  	[spmem:s19] =	stream.linear.scatter [tilespmem:s10], [sflag:$0x9], $0x4000, $0x38;
	[tilespmem:$0x1EA00] =	vst v63  }
0x49: {  	_ =	swait.ge [sflag:s25], $0x4000  }
0x4a: {  	[sflag:s25] =	ssyncset.done $0x0  }
0x4b: {  	[sflag:s25] =	ssyncadd.s32 $0xFFFFC000  }
0x4c: {  	[bflag:$0x0] =	sbarrier.arrive $0xFFFF  }
0x4d: {  	[tilespmem:s26], [sflag:$0x5] =	stream.linear.gather [hbm4b:s11+s10], $0x80, $0x38;
	[tilespmem:$0x1EA00] =	vst v63  }
0x4e: {  	_ = 	snop  }
0x4f: {  	[tilespmem:s28], [sflag:$0x7] =	stream.linear.gather [hbm4b:s18+s10], $0x80, $0x38;
	[tilespmem:$0x1EA00] =	vst v63  }
0x50: {  	s19 =	rddreg [dreg:$0xb]  }
0x51: {  	[tilespmem:s29], [sflag:$0x6] =	stream.linear.gather [hbm4b:s19+s10], $0x80, $0x38;
	[tilespmem:$0x1EA00] =	vst v63  }
0x52: {  	_ =	swait.ge [sflag:s30], $0x80  }
0x53: {  	[sflag:s30] =	ssyncset.done $0x0  }
0x54: {  	[sflag:s30] =	ssyncadd.s32 $0xFFFFFF80  }
0x55: {  	[tilespmem:s10], [sflag:$0x1] =	stream.indirect.gather [hbm4b:s0+s31], $0x80, s26, s31, $0xb8;
	[tilespmem:$0x1EA00] =	vst v63  }
0x56: {  	_ =	swait.ge [sflag:s1], $0x4000  }
0x57: {  	[sflag:s1] =	ssyncset.done $0x0  }
0x58: {  	[sflag:s1] =	ssyncadd.s32 $0xFFFFC000  }
0x59: {  	_ =	swait.ge [sflag:s2], $0x80  }
0x5a: {  	[sflag:s2] =	ssyncset.done $0x0  }
0x5b: {  	[sflag:s2] =	ssyncadd.s32 $0xFFFFFF80  }
0x5c: {  	[tilespmem:s6], [sflag:$0x2] =	stream.indirect.gather [hbm4b:s0+s31], $0x80, s29, s31, $0xb8;
	[tilespmem:$0x1EA00] =	vst v63  }
0x5d: {  	s19 =	rddreg [dreg:$0xc]  }
0x5e: {  	[tilespmem:s26], [sflag:$0x5] =	stream.linear.gather [hbm4b:s19+s10], $0x80, $0x38;
	[tilespmem:$0x1EA00] =	vst v63  }
0x5f: {  	s19 =	rddreg [dreg:$0xd]  }
0x60: {  	[tilespmem:s7], [sflag:$0x8] =	stream.linear.gather [hbm4b:s19+s10], $0x80, $0x38;
	[tilespmem:$0x1EA00] =	vst v63  }
0x61: {  	_ =	swait.ge [sflag:s8], $0x80  }
0x62: {  	[sflag:s8] =	ssyncset.done $0x0  }
0x63: {  	[sflag:s8] =	ssyncadd.s32 $0xFFFFFF80  }
0x64: {  	[spmem:s3] =	stream.indirect.scatter.add.f32 [tilespmem:s10], [sflag:$0x3], $0x80, s28, s31, $0xb8;
	[tilespmem:$0x1EA00] =	vst v63  }
0x65: {  	v2 =	vld [tilespmem:$0x8100];
	_ =	sdelay $0x7  }
0x66: {  	[tilespmem:v2+s9+$0x0] =	vst.idx.add.f32.msk $0xffff, v1  }
0x67: {  	v2 =	vld [tilespmem:$0x8110];
	_ =	sdelay $0x7  }
0x68: {  	[tilespmem:v2+s9+$0x0] =	vst.idx.add.f32.msk $0xffff, v1  }
0x69: {  	v2 =	vld [tilespmem:$0x8120];
	_ =	sdelay $0x7  }
0x6a: {  	[tilespmem:v2+s9+$0x0] =	vst.idx.add.f32.msk $0xffff, v1  }
0x6b: {  	v2 =	vld [tilespmem:$0x8130];
	_ =	sdelay $0x7  }
0x6c: {  	[tilespmem:v2+s9+$0x0] =	vst.idx.add.f32.msk $0xffff, v1  }
0x6d: {  	v2 =	vld [tilespmem:$0x8140];
	_ =	sdelay $0x7  }
0x6e: {  	[tilespmem:v2+s9+$0x0] =	vst.idx.add.f32.msk $0xffff, v1  }
0x6f: {  	v2 =	vld [tilespmem:$0x8150];
	_ =	sdelay $0x7  }
0x70: {  	[tilespmem:v2+s9+$0x0] =	vst.idx.add.f32.msk $0xffff, v1  }
0x71: {  	v2 =	vld [tilespmem:$0x8160];
	_ =	sdelay $0x7  }
0x72: {  	[tilespmem:v2+s9+$0x0] =	vst.idx.add.f32.msk $0xffff, v1  }
0x73: {  	v2 =	vld [tilespmem:$0x8170];
	_ =	sdelay $0x7  }
0x74: {  	[tilespmem:v2+s9+$0x0] =	vst.idx.add.f32.msk $0xffff, v1  }
0x75: {  	_ =	swait.ge [sflag:s12], $0x4000  }
0x76: {  	[sflag:s12] =	ssyncset.done $0x0  }
0x77: {  	[sflag:s12] =	ssyncadd.s32 $0xFFFFC000  }
0x78: {  	_ =	swait.ge [sflag:s13], $0x4000  }
0x79: {  	[sflag:s13] =	ssyncset.done $0x0  }
0x7a: {  	[sflag:s13] =	ssyncadd.s32 $0xFFFFC000  }
0x7b: {  	_ =	swait.ge [sflag:s30], $0x80  }
0x7c: {  	[sflag:s30] =	ssyncset.done $0x0  }
0x7d: {  	[sflag:s30] =	ssyncadd.s32 $0xFFFFFF80  }
0x7e: {  	[tilespmem:s10], [sflag:$0x1] =	stream.indirect.gather [hbm4b:s0+s31], $0x80, s26, s31, $0xb8;
	[tilespmem:$0x1EA00] =	vst v63  }
0x7f: {  	s19 =	rddreg [dreg:$0xe]  }
0x80: {  	[tilespmem:s29], [sflag:$0x6] =	stream.linear.gather [hbm4b:s19+s10], $0x80, $0x38;
	[tilespmem:$0x1EA00] =	vst v63  }
0x81: {  	s19 =	rddreg [dreg:$0xf]  }
0x82: {  	[tilespmem:s28], [sflag:$0x7] =	stream.linear.gather [hbm4b:s19+s10], $0x80, $0x38;
	[tilespmem:$0x1EA00] =	vst v63  }
0x83: {  	_ =	swait.ge [sflag:s14], $0x80  }
0x84: {  	[sflag:s14] =	ssyncset.done $0x0  }
0x85: {  	[sflag:s14] =	ssyncadd.s32 $0xFFFFFF80  }
0x86: {  	[spmem:s3] =	stream.indirect.scatter.add.f32 [tilespmem:s6], [sflag:$0x4], $0x80, s7, s31, $0xb8;
	[tilespmem:$0x1EA00] =	vst v63  }
0x87: {  	v2 =	vld [tilespmem:$0x8180];
	_ =	sdelay $0x7  }
0x88: {  	[tilespmem:v2+s9+$0x0] =	vst.idx.add.f32.msk $0xffff, v1  }
0x89: {  	v2 =	vld [tilespmem:$0x8190];
	_ =	sdelay $0x7  }
0x8a: {  	[tilespmem:v2+s9+$0x0] =	vst.idx.add.f32.msk $0xffff, v1  }
0x8b: {  	v2 =	vld [tilespmem:$0x81A0];
	_ =	sdelay $0x7  }
0x8c: {  	[tilespmem:v2+s9+$0x0] =	vst.idx.add.f32.msk $0xffff, v1  }
0x8d: {  	v2 =	vld [tilespmem:$0x81B0];
	_ =	sdelay $0x7  }
0x8e: {  	[tilespmem:v2+s9+$0x0] =	vst.idx.add.f32.msk $0xffff, v1  }
0x8f: {  	v2 =	vld [tilespmem:$0x81C0];
	_ =	sdelay $0x7  }
0x90: {  	[tilespmem:v2+s9+$0x0] =	vst.idx.add.f32.msk $0xffff, v1  }
0x91: {  	v2 =	vld [tilespmem:$0x81D0];
	_ =	sdelay $0x7  }
0x92: {  	[tilespmem:v2+s9+$0x0] =	vst.idx.add.f32.msk $0xffff, v1  }
0x93: {  	v2 =	vld [tilespmem:$0x81E0];
	_ =	sdelay $0x7  }
0x94: {  	[tilespmem:v2+s9+$0x0] =	vst.idx.add.f32.msk $0xffff, v1  }
0x95: {  	v2 =	vld [tilespmem:$0x81F0];
	_ =	sdelay $0x7  }
0x96: {  	[tilespmem:v2+s9+$0x0] =	vst.idx.add.f32.msk $0xffff, v1  }
.LBB2_6:
0x97: {  	_ =	swait.ge [sflag:s1], $0x4000  }
0x98: {  	[sflag:s1] =	ssyncset.done $0x0  }
0x99: {  	[sflag:s1] =	ssyncadd.s32 $0xFFFFC000  }
0x9a: {  	_ =	swait.ge [sflag:s15], $0x4000  }
0x9b: {  	[sflag:s15] =	ssyncset.done $0x0  }
0x9c: {  	[sflag:s15] =	ssyncadd.s32 $0xFFFFC000  }
0x9d: {  	_ =	swait.ge [sflag:s2], $0x80  }
0x9e: {  	[sflag:s2] =	ssyncset.done $0x0  }
0x9f: {  	[sflag:s2] =	ssyncadd.s32 $0xFFFFFF80  }
0xa0: {  	[tilespmem:s6], [sflag:$0x2] =	stream.indirect.gather [hbm4b:s0+s31], $0x80, s29, s31, $0xb8;
	[tilespmem:$0x1EA00] =	vst v63  }
0xa1: {  	s17 =	sadd.s32 s10, s24  }
0xa2: {  	[tilespmem:s26], [sflag:$0x5] =	stream.linear.gather [hbm4b:s17+s4], $0x80, $0x38;
	[tilespmem:$0x1EA00] =	vst v63  }
0xa3: {  	s19 =	sadd.s32 s10, s22  }
0xa4: {  	[tilespmem:s7], [sflag:$0x8] =	stream.linear.gather [hbm4b:s19+s4], $0x80, $0x38;
	[tilespmem:$0x1EA00] =	vst v63  }
0xa5: {  	_ =	swait.ge [sflag:s8], $0x80  }
0xa6: {  	[sflag:s8] =	ssyncset.done $0x0  }
0xa7: {  	[sflag:s8] =	ssyncadd.s32 $0xFFFFFF80  }
0xa8: {  	[spmem:s3] =	stream.indirect.scatter.add.f32 [tilespmem:s4], [sflag:$0x3], $0x80, s28, s31, $0xb8;
	[tilespmem:$0x1EA00] =	vst v63  }
0xa9: {  	v2 =	vld [tilespmem:$0x8100];
	_ =	sdelay $0x7  }
0xaa: {  	[tilespmem:v2+s9+$0x0] =	vst.idx.add.f32.msk $0xffff, v1  }
0xab: {  	v2 =	vld [tilespmem:$0x8110];
	_ =	sdelay $0x7  }
0xac: {  	[tilespmem:v2+s9+$0x0] =	vst.idx.add.f32.msk $0xffff, v1  }
0xad: {  	v2 =	vld [tilespmem:$0x8120];
	_ =	sdelay $0x7  }
0xae: {  	[tilespmem:v2+s9+$0x0] =	vst.idx.add.f32.msk $0xffff, v1  }
0xaf: {  	v2 =	vld [tilespmem:$0x8130];
	_ =	sdelay $0x7  }
0xb0: {  	[tilespmem:v2+s9+$0x0] =	vst.idx.add.f32.msk $0xffff, v1  }
0xb1: {  	v2 =	vld [tilespmem:$0x8140];
	_ =	sdelay $0x7  }
0xb2: {  	[tilespmem:v2+s9+$0x0] =	vst.idx.add.f32.msk $0xffff, v1  }
0xb3: {  	v2 =	vld [tilespmem:$0x8150];
	_ =	sdelay $0x7  }
0xb4: {  	[tilespmem:v2+s9+$0x0] =	vst.idx.add.f32.msk $0xffff, v1  }
0xb5: {  	v2 =	vld [tilespmem:$0x8160];
	_ =	sdelay $0x7  }
0xb6: {  	[tilespmem:v2+s9+$0x0] =	vst.idx.add.f32.msk $0xffff, v1  }
0xb7: {  	v2 =	vld [tilespmem:$0x8170];
	_ =	sdelay $0x7  }
0xb8: {  	[tilespmem:v2+s9+$0x0] =	vst.idx.add.f32.msk $0xffff, v1  }
0xb9: {  	_ =	swait.ge [sflag:s12], $0x4000  }
0xba: {  	[sflag:s12] =	ssyncset.done $0x0  }
0xbb: {  	[sflag:s12] =	ssyncadd.s32 $0xFFFFC000  }
0xbc: {  	_ =	swait.ge [sflag:s13], $0x4000  }
0xbd: {  	[sflag:s13] =	ssyncset.done $0x0  }
0xbe: {  	[sflag:s13] =	ssyncadd.s32 $0xFFFFC000  }
0xbf: {  	_ =	swait.ge [sflag:s30], $0x80  }
0xc0: {  	[sflag:s30] =	ssyncset.done $0x0  }
0xc1: {  	[sflag:s30] =	ssyncadd.s32 $0xFFFFFF80  }
0xc2: {  	[tilespmem:s4], [sflag:$0x1] =	stream.indirect.gather [hbm4b:s0+s31], $0x80, s26, s31, $0xb8;
	[tilespmem:$0x1EA00] =	vst v63  }
0xc3: {  	s19 =	sadd.s32 s10, s21  }
0xc4: {  	[tilespmem:s29], [sflag:$0x6] =	stream.linear.gather [hbm4b:s19+s4], $0x80, $0x38;
	[tilespmem:$0x1EA00] =	vst v63  }
0xc5: {  	s19 =	sadd.s32 s10, s23  }
0xc6: {  	[tilespmem:s28], [sflag:$0x7] =	stream.linear.gather [hbm4b:s19+s4], $0x80, $0x38;
	[tilespmem:$0x1EA00] =	vst v63  }
0xc7: {  	_ =	swait.ge [sflag:s14], $0x80  }
0xc8: {  	[sflag:s14] =	ssyncset.done $0x0  }
0xc9: {  	[sflag:s14] =	ssyncadd.s32 $0xFFFFFF80  }
0xca: {  	[spmem:s3] =	stream.indirect.scatter.add.f32 [tilespmem:s6], [sflag:$0x4], $0x80, s7, s31, $0xb8;
	[tilespmem:$0x1EA00] =	vst v63  }
0xcb: {  	v2 =	vld [tilespmem:$0x8180];
	_ =	sdelay $0x7  }
0xcc: {  	[tilespmem:v2+s9+$0x0] =	vst.idx.add.f32.msk $0xffff, v1  }
0xcd: {  	v2 =	vld [tilespmem:$0x8190];
	_ =	sdelay $0x7  }
0xce: {  	[tilespmem:v2+s9+$0x0] =	vst.idx.add.f32.msk $0xffff, v1  }
0xcf: {  	v2 =	vld [tilespmem:$0x81A0];
	_ =	sdelay $0x7  }
0xd0: {  	[tilespmem:v2+s9+$0x0] =	vst.idx.add.f32.msk $0xffff, v1  }
0xd1: {  	v2 =	vld [tilespmem:$0x81B0];
	_ =	sdelay $0x7  }
0xd2: {  	[tilespmem:v2+s9+$0x0] =	vst.idx.add.f32.msk $0xffff, v1  }
0xd3: {  	v2 =	vld [tilespmem:$0x81C0];
	_ =	sdelay $0x7  }
0xd4: {  	[tilespmem:v2+s9+$0x0] =	vst.idx.add.f32.msk $0xffff, v1  }
0xd5: {  	v2 =	vld [tilespmem:$0x81D0];
	_ =	sdelay $0x7  }
0xd6: {  	[tilespmem:v2+s9+$0x0] =	vst.idx.add.f32.msk $0xffff, v1  }
0xd7: {  	v2 =	vld [tilespmem:$0x81E0];
	_ =	sdelay $0x7  }
0xd8: {  	[tilespmem:v2+s9+$0x0] =	vst.idx.add.f32.msk $0xffff, v1  }
0xd9: {  	v2 =	vld [tilespmem:$0x81F0];
	_ =	sdelay $0x2  }
0xda: {  	p0 =	sne.s32 s10, $0x4A0  }
.Ltmp2:
0xdb: {  	_ = 	snop;
	(pc) =	sbr.rel @p0 .LBB2_6-.Ltmp2, $2  }
0xdc: {  	_ =	sdelay $0x2  }
0xdd: {  	s10 =	sadd.s32 $0x20, s10;
	[tilespmem:v2+s9+$0x0] =	vst.idx.add.f32.msk $0xffff, v1  }
0xde: {  	_ =	swait.ge [sflag:s1], $0x4000  }
0xdf: {  	[sflag:s1] =	ssyncset.done $0x0  }
0xe0: {  	[sflag:s1] =	ssyncadd.s32 $0xFFFFC000  }
0xe1: {  	_ =	swait.ge [sflag:s15], $0x4000  }
0xe2: {  	[sflag:s15] =	ssyncset.done $0x0  }
0xe3: {  	[sflag:s15] =	ssyncadd.s32 $0xFFFFC000  }
0xe4: {  	_ =	swait.ge [sflag:s2], $0x80  }
0xe5: {  	[sflag:s2] =	ssyncset.done $0x0  }
0xe6: {  	[sflag:s2] =	ssyncadd.s32 $0xFFFFFF80  }
0xe7: {  	[tilespmem:s6], [sflag:$0x2] =	stream.indirect.gather [hbm4b:s0+s31], $0x80, s29, s31, $0xb8;
	[tilespmem:$0x1EA00] =	vst v63  }
0xe8: {  	s10 =	rddreg [dreg:$0x10]  }
0xe9: {  	[tilespmem:s7], [sflag:$0x8] =	stream.linear.gather [hbm4b:s10+s4], $0x80, $0x38;
	[tilespmem:$0x1EA00] =	vst v63  }
0xea: {  	_ =	swait.ge [sflag:s8], $0x80  }
0xeb: {  	[sflag:s8] =	ssyncset.done $0x0  }
0xec: {  	[sflag:s8] =	ssyncadd.s32 $0xFFFFFF80  }
0xed: {  	[spmem:s3] =	stream.indirect.scatter.add.f32 [tilespmem:s4], [sflag:$0x3], $0x80, s28, s31, $0xb8;
	[tilespmem:$0x1EA00] =	vst v63  }
0xee: {  	v2 =	vld [tilespmem:$0x8100];
	_ =	sdelay $0x7  }
0xef: {  	[tilespmem:v2+s9+$0x0] =	vst.idx.add.f32.msk $0xffff, v1  }
0xf0: {  	v2 =	vld [tilespmem:$0x8110];
	_ =	sdelay $0x7  }
0xf1: {  	[tilespmem:v2+s9+$0x0] =	vst.idx.add.f32.msk $0xffff, v1  }
0xf2: {  	v2 =	vld [tilespmem:$0x8120];
	_ =	sdelay $0x7  }
0xf3: {  	[tilespmem:v2+s9+$0x0] =	vst.idx.add.f32.msk $0xffff, v1  }
0xf4: {  	v2 =	vld [tilespmem:$0x8130];
	_ =	sdelay $0x7  }
0xf5: {  	[tilespmem:v2+s9+$0x0] =	vst.idx.add.f32.msk $0xffff, v1  }
0xf6: {  	v2 =	vld [tilespmem:$0x8140];
	_ =	sdelay $0x7  }
0xf7: {  	[tilespmem:v2+s9+$0x0] =	vst.idx.add.f32.msk $0xffff, v1  }
0xf8: {  	v2 =	vld [tilespmem:$0x8150];
	_ =	sdelay $0x7  }
0xf9: {  	[tilespmem:v2+s9+$0x0] =	vst.idx.add.f32.msk $0xffff, v1  }
0xfa: {  	v2 =	vld [tilespmem:$0x8160];
	_ =	sdelay $0x7  }
0xfb: {  	[tilespmem:v2+s9+$0x0] =	vst.idx.add.f32.msk $0xffff, v1  }
0xfc: {  	v2 =	vld [tilespmem:$0x8170];
	_ =	sdelay $0x7  }
0xfd: {  	[tilespmem:v2+s9+$0x0] =	vst.idx.add.f32.msk $0xffff, v1  }
0xfe: {  	_ =	swait.ge [sflag:s12], $0x4000  }
0xff: {  	[sflag:s12] =	ssyncset.done $0x0  }
0x100: {  	[sflag:s12] =	ssyncadd.s32 $0xFFFFC000  }
0x101: {  	_ =	swait.ge [sflag:s13], $0x4000  }
0x102: {  	[sflag:s13] =	ssyncset.done $0x0  }
0x103: {  	[sflag:s13] =	ssyncadd.s32 $0xFFFFC000  }
0x104: {  	_ =	swait.ge [sflag:s14], $0x80  }
0x105: {  	[sflag:s14] =	ssyncset.done $0x0  }
0x106: {  	[sflag:s14] =	ssyncadd.s32 $0xFFFFFF80  }
0x107: {  	[spmem:s3] =	stream.indirect.scatter.add.f32 [tilespmem:s6], [sflag:$0x4], $0x80, s7, s31, $0xb8;
	[tilespmem:$0x1EA00] =	vst v63  }
0x108: {  	v2 =	vld [tilespmem:$0x8180];
	_ =	sdelay $0x7  }
0x109: {  	[tilespmem:v2+s9+$0x0] =	vst.idx.add.f32.msk $0xffff, v1  }
0x10a: {  	v2 =	vld [tilespmem:$0x8190];
	_ =	sdelay $0x7  }
0x10b: {  	[tilespmem:v2+s9+$0x0] =	vst.idx.add.f32.msk $0xffff, v1  }
0x10c: {  	v2 =	vld [tilespmem:$0x81A0];
	_ =	sdelay $0x7  }
0x10d: {  	[tilespmem:v2+s9+$0x0] =	vst.idx.add.f32.msk $0xffff, v1  }
0x10e: {  	v2 =	vld [tilespmem:$0x81B0];
	_ =	sdelay $0x7  }
0x10f: {  	[tilespmem:v2+s9+$0x0] =	vst.idx.add.f32.msk $0xffff, v1  }
0x110: {  	v2 =	vld [tilespmem:$0x81C0];
	_ =	sdelay $0x7  }
0x111: {  	[tilespmem:v2+s9+$0x0] =	vst.idx.add.f32.msk $0xffff, v1  }
0x112: {  	v2 =	vld [tilespmem:$0x81D0];
	_ =	sdelay $0x7  }
0x113: {  	[tilespmem:v2+s9+$0x0] =	vst.idx.add.f32.msk $0xffff, v1  }
0x114: {  	v2 =	vld [tilespmem:$0x81E0];
	_ =	sdelay $0x7  }
0x115: {  	[tilespmem:v2+s9+$0x0] =	vst.idx.add.f32.msk $0xffff, v1  }
0x116: {  	v2 =	vld [tilespmem:$0x81F0];
	_ =	sdelay $0x7  }
0x117: {  	[tilespmem:v2+s9+$0x0] =	vst.idx.add.f32.msk $0xffff, v1  }
0x118: {  	_ =	swait.ge [sflag:s15], $0x4000  }
0x119: {  	[sflag:s15] =	ssyncset.done $0x0  }
0x11a: {  	s19 =	stileid.u32;
	[sflag:s15] =	ssyncadd.s32 $0xFFFFC000  }
0x11b: {  	s10 =	sshll.u32 s19, $0x6;
	[bflag:$0x0] =	sbarrier.arrive $0xFFFF  }
0x11c: {  	s17 =	sshrl.u32 s5, $0x3;
	s10 =	sor.u32 $0x1C09, s10;
	s19 =	rddreg [dreg:$0x11]  }
0x11d: {  	[hbm:s19], [sflag:s10] =	dma.local [spmem:s17], $0x2800  }
0x11e: {  	s16 =	sadd.s32 $0x1, s16;
	_ =	swait.ge [sflag:s25], $0x2800  }
0x11f: {  	p0 =	sne.s32 s16, s20;
	s19 =	simm.s32 $0x400;
	[sflag:s25] =	ssyncset.done $0x0  }
.Ltmp3:
0x120: {  	s17 =	rddreg [dreg:$0x12];
	[sflag:s25] =	ssyncadd.s32 $0xFFFFD800;
	(pc) =	sbr.rel @p0 .LBB2_1-.Ltmp3, $4  }
0x121: {  	[hbm4b:s17+s31] =	stream.strided.scatter [tilespmem:s9], [sflag:$0x9], $0x2800, s19, s31, $0x38;
	[tilespmem:$0x1EA00] =	vst v63  }
0x122: {  	_ =	swait.ge [sflag:s25], $0x2800  }
0x123: {  	[sflag:s25] =	ssyncset.done $0x0  }
0x124: {  	[sflag:s25] =	ssyncadd.s32 $0xFFFFD800  }
0x125: {  	_ =	sfence.sel $0x180000  }
0x126: {  	[bflag:$0x0] =	sbarrier.arrive $0xFFFF  }
0x127: {  	_ =	strace $0x90000047  }
0x128: {  	s0 =	stileid.u32;
	[bflag:$0x2] =	sbarrier.arrive $0xFFFF  }
0x129: {  	p0 =	sne.s32 s0, $0x0;
	s0 =	rddreg [dreg:$0x6]  }
0x12a: {  	s0 =	sadd.s32 @!p0 $0x100000, s0  }
0x12b: {  	[sflag:s0] =	ssyncadd.tile.s32 @!p0 $0x1;
	_ =	shalt  }
.Lfunc_end2:
_tile_overlayer_lowered:
.L_overlay_start_2:
0x12c: {  	(tag) =	ssettag $0x2  }
0x12d: {  	s0 =	rddreg [dreg:$0x0];
	s2 =	stileid.u32  }
0x12e: {  	s1 =	rddreg [dreg:$0x1];
	p0 =	sne.s32 s2, $0x0  }
0x12f: {  	s3 =	rddreg [dreg:$0x2];
	[bflag:$0x3] =	sbarrier.arrive $0xFFFF;
	s2 =	simm.s32 @!p0 $0x1C09  }
0x130: {  	[timem:s3], [sflag:s2] =	dma.local @!p0 [hbm:s0], s1  }
0x131: {  	s0 =	simm.s32 @!p0 $0x9  }
0x132: {  	_ =	swait.ge @!p0 [sflag:s0], s1  }
0x133: {  	s1 =	ssub.s32 @!p0 $0x0, s1;
	[sflag:s0] =	ssyncset.done @!p0 $0x0  }
0x134: {  	[sflag:s0] =	ssyncadd.s32 @!p0 s1  }
0x135: {  	[bflag:$0x3] =	sbarrier.arrive $0xFFFF  }
0x136: {  	_ =	shalt  }

</sc_bundles>
